<compile_context>
chip_gen: v7x
topology: tpu7x:2x2x1
jax: 0.10.2.dev20260603
libtpu: 0.0.44.dev20260713+nightly
codegen_flags: <defaults>
</compile_context>

<pallas_src>
import functools

import jax
import jax.numpy as jnp
from jax import lax
from jax.experimental import pallas as pl
from jax.experimental.pallas import tpu as pltpu
from jax.experimental.pallas import tpu_sc as plsc

B = 64
P = 576
D = 768

_SPLIT = 32

_NC = 2
_NS = 16
_NW = _NC * _NS
_BSC = B - _SPLIT
_RPW = (_BSC * P) // _NW
_CPB = 16
_NCH = _RPW // _CPB
_GPR = D // 16
_ROW_OFF = _SPLIT * P


def _tc_body(x_ref, t_ref, o_ref):
    o_ref[...] = x_ref[...] + t_ref[...]


def _sc_body(x_hbm, t_hbm, o_hbm, spos,
             pb0, pb1, xb0, xb1, xb2, xb3,
             ps0, ps1, is0, is1, is2, is3, os0, os1, os2, os3):
    cid = lax.axis_index("c")
    sid = lax.axis_index("s")
    wid = sid * _NC + cid
    row0 = wid * _RPW

    @pl.when(sid == 0)
    def _():
        pltpu.sync_copy(t_hbm, spos)

    plsc.subcore_barrier()

    xbufs = (xb0, xb1, xb2, xb3)
    isems = (is0, is1, is2, is3)
    osems = (os0, os1, os2, os3)
    pbufs = (pb0, pb1)
    psems = (ps0, ps1)

    def xrow(c):
        return _ROW_OFF + row0 + c * _CPB

    def orow(c):
        return row0 + c * _CPB

    def prow(c):
        return (c % (P // _CPB)) * _CPB

    def start_in(c, sx, sp):
        pltpu.make_async_copy(
            x_hbm.at[pl.ds(xrow(c), _CPB), :], xbufs[sx], isems[sx]).start()
        pltpu.make_async_copy(
            spos.at[pl.ds(prow(c), _CPB), :], pbufs[sp], psems[sp]).start()

    start_in(0, 0, 0)
    start_in(1, 1, 1)

    def step(c, sx, sp):
        xbuf, isem, osem = xbufs[sx], isems[sx], osems[sx]
        pbuf, psem = pbufs[sp], psems[sp]

        pltpu.make_async_copy(
            x_hbm.at[pl.ds(xrow(c), _CPB), :], xbuf, isem).wait()
        pltpu.make_async_copy(
            spos.at[pl.ds(prow(c), _CPB), :], pbuf, psem).wait()

        @plsc.parallel_loop(0, _CPB * _GPR, 1, unroll=8)
        def _add_group(i):
            r = i // _GPR
            g = (i % _GPR) * 16
            plsc.addupdate(xbuf.at[r, pl.ds(g, 16)], pbuf[r, pl.ds(g, 16)])

        pltpu.make_async_copy(
            xbuf, o_hbm.at[pl.ds(orow(c), _CPB), :], osem).start()

        sx2 = (sx + 2) % 4

        @pl.when(c + 2 < _NCH)
        def _():
            @pl.when(c >= 2)
            def _():
                pltpu.make_async_copy(
                    xbufs[sx2],
                    o_hbm.at[pl.ds(orow(c - 2), _CPB), :],
                    osems[sx2]).wait()

            start_in(c + 2, sx2, sp)

    def loop(i, carry):
        c0 = i * 4
        step(c0, 0, 0)
        step(c0 + 1, 1, 1)
        step(c0 + 2, 2, 0)
        step(c0 + 3, 3, 1)
        return carry

    lax.fori_loop(0, _NCH // 4, loop, 0)

    for k in range(4):
        c = _NCH - 4 + k
        pltpu.make_async_copy(
            xbufs[c % 4], o_hbm.at[pl.ds(orow(c), _CPB), :],
            osems[c % 4]).wait()


def kernel(encoded_patches, pos_table):
    x2 = encoded_patches.reshape(B * P, D)
    mesh = plsc.VectorSubcoreMesh(core_axis_name="c", subcore_axis_name="s")
    sc_k = functools.partial(
        pl.kernel,
        mesh=mesh,
        out_type=jax.ShapeDtypeStruct((_BSC * P, D), jnp.float32),
        scratch_types=[
            pltpu.VMEM_SHARED((P, D), jnp.float32),
            pltpu.VMEM((_CPB, D), jnp.float32),
            pltpu.VMEM((_CPB, D), jnp.float32),
            pltpu.VMEM((_CPB, D), jnp.float32),
            pltpu.VMEM((_CPB, D), jnp.float32),
            pltpu.VMEM((_CPB, D), jnp.float32),
            pltpu.VMEM((_CPB, D), jnp.float32),
            pltpu.SemaphoreType.DMA,
            pltpu.SemaphoreType.DMA,
            pltpu.SemaphoreType.DMA,
            pltpu.SemaphoreType.DMA,
            pltpu.SemaphoreType.DMA,
            pltpu.SemaphoreType.DMA,
            pltpu.SemaphoreType.DMA,
            pltpu.SemaphoreType.DMA,
            pltpu.SemaphoreType.DMA,
            pltpu.SemaphoreType.DMA,
        ],
    )(_sc_body)
    out_sc = sc_k(x2, pos_table).reshape(_BSC, P, D)

    out_tc = pl.pallas_call(
        _tc_body,
        grid=(_SPLIT,),
        in_specs=[
            pl.BlockSpec((1, P, D), lambda b: (b, 0, 0)),
            pl.BlockSpec((P, D), lambda b: (0, 0)),
        ],
        out_specs=pl.BlockSpec((1, P, D), lambda b: (b, 0, 0)),
        out_shape=jax.ShapeDtypeStruct((_SPLIT, P, D), jnp.float32),
    )(encoded_patches, pos_table)

    return jnp.concatenate([out_tc, out_sc], axis=0)

# --- scband reference (transcript-rebuilt; emitter-appended) ---
"""Pipeline reference for scband-patch-encoder-42597485641850 (READ-ONLY COPY).

The authoritative reference and input builder live on the scoring server;
editing this copy changes nothing except your own understanding.
"""

import jax, jax.numpy as jnp
import numpy as np

NUM_PATCHES = 576
PROJECTION_DIM = 768

def setup_inputs(seed: int = 0) -> dict:
    key = jax.random.key(seed)
    k1, k2 = jax.random.split(key)
    encoded_patches = jax.random.normal(k1, (64, NUM_PATCHES, PROJECTION_DIM), dtype=jnp.float32)
    # Embedding table for position embeddings (Keras Embedding default: uniform init)
    pos_table = jax.random.uniform(k2, (NUM_PATCHES, PROJECTION_DIM), dtype=jnp.float32, minval=-0.05, maxval=0.05)
    return {"encoded_patches": encoded_patches, "pos_table": pos_table}

def reference(encoded_patches, pos_table):
    positions = jnp.arange(NUM_PATCHES)
    encoded_positions = jnp.take(pos_table, positions, axis=0)  # embedding lookup -> [num_patches, dim]
    out = encoded_patches + encoded_positions[None, :, :]
    return out

if __name__ == "__main__":
    import jax
    _d = setup_inputs()
    print(jax.jit(kernel)(*tuple(_d.values())))

</pallas_src>

<mosaic_0001>
#map = affine_map<(d0, d1) -> (0, 0)>
module attributes {stable_mosaic.version = 14 : i64} {
  func.func @_sc_body(%arg0: i32, %arg1: i32, %arg2: memref<36864x768xf32, #tpu.memory_space<hbm>>, %arg3: memref<576x768xf32, #tpu.memory_space<hbm>>, %arg4: memref<18432x768xf32, #tpu.memory_space<hbm>>, %arg5: memref<576x768xf32, #tpu.memory_space<vmem_shared>>, %arg6: memref<16x768xf32, #tpu.memory_space<vmem>>, %arg7: memref<16x768xf32, #tpu.memory_space<vmem>>, %arg8: memref<16x768xf32, #tpu.memory_space<vmem>>, %arg9: memref<16x768xf32, #tpu.memory_space<vmem>>, %arg10: memref<16x768xf32, #tpu.memory_space<vmem>>, %arg11: memref<16x768xf32, #tpu.memory_space<vmem>>, %arg12: memref<!tpu.dma_semaphore, #tpu.memory_space<semaphore_mem>>, %arg13: memref<!tpu.dma_semaphore, #tpu.memory_space<semaphore_mem>>, %arg14: memref<!tpu.dma_semaphore, #tpu.memory_space<semaphore_mem>>, %arg15: memref<!tpu.dma_semaphore, #tpu.memory_space<semaphore_mem>>, %arg16: memref<!tpu.dma_semaphore, #tpu.memory_space<semaphore_mem>>, %arg17: memref<!tpu.dma_semaphore, #tpu.memory_space<semaphore_mem>>, %arg18: memref<!tpu.dma_semaphore, #tpu.memory_space<semaphore_mem>>, %arg19: memref<!tpu.dma_semaphore, #tpu.memory_space<semaphore_mem>>, %arg20: memref<!tpu.dma_semaphore, #tpu.memory_space<semaphore_mem>>, %arg21: memref<!tpu.dma_semaphore, #tpu.memory_space<semaphore_mem>>) attributes {dimension_semantics = [#tpu.dimension_semantics<core_parallel>, #tpu.dimension_semantics<subcore_parallel>], iteration_bounds = array<i64: 2, 16>, scalar_prefetch = 0 : i64, scratch_operands = 17 : i64, tpu.core_type = #tpu.core_type<sc_vector_subcore>, window_params = [{transform_indices = #map}, {transform_indices = #map}, {transform_indices = #map}]} {
    %mul3A = arith.constant 2 : i32
    %mul3A_0 = arith.muli %arg1, %mul3A : i32
    %add3A = arith.addi %mul3A_0, %arg0 : i32
    %mul3A_1 = arith.constant 576 : i32
    %mul3A_2 = arith.muli %add3A, %mul3A_1 : i32
    %eq3A = arith.constant 0 : i32
    %eq3A_3 = arith.cmpi eq, %arg1, %eq3A : i32
    %convert_element_type3A = arith.extui %eq3A_3 : i1 to i32
    %cond3A = arith.constant 0 : i32
    %cond3A_4 = arith.cmpi ne, %convert_element_type3A, %cond3A : i32
    scf.if %cond3A_4 {
      "tpu.region"() ({
        %run_scoped3A = tpu.sem_alloc : memref<!tpu.dma_semaphore, #tpu.memory_space<semaphore_mem>>
        tpu.enqueue_dma source(%arg3 : memref<576x768xf32, #tpu.memory_space<hbm>>) target(%arg5 : memref<576x768xf32, #tpu.memory_space<vmem_shared>>) target_semaphore(%run_scoped3A : memref<!tpu.dma_semaphore, #tpu.memory_space<semaphore_mem>>)
        tpu.wait_dma2 semaphore(%run_scoped3A : memref<!tpu.dma_semaphore, #tpu.memory_space<semaphore_mem>>) src(%arg3 : memref<576x768xf32, #tpu.memory_space<hbm>>) dst(%arg5 : memref<576x768xf32, #tpu.memory_space<vmem_shared>>)
        tpu.yield
      }) : () -> ()
    } else {
    }
    %barrier3A = arith.constant 0 : index
    tpu.barrier barrier_id(%barrier3A)
    %add3A_5 = arith.constant 18432 : i32
    %add3A_6 = arith.addi %add3A_5, %mul3A_2 : i32
    %add3A_7 = arith.constant 0 : i32
    %add3A_8 = arith.addi %add3A_6, %add3A_7 : i32
    %dma_start3A = arith.constant 0 : i32
    %dma_start3A_9 = tpu.memref_slice %arg2[%add3A_8, %dma_start3A] : memref<36864x768xf32, #tpu.memory_space<hbm>> -> memref<16x768xf32, #tpu.memory_space<hbm>>
    %dma_start3A_10 = arith.constant 0 : i32
    %dma_start3A_11 = tpu.memref_slice %arg2[%add3A_8, %dma_start3A_10] : memref<36864x768xf32, #tpu.memory_space<hbm>> -> memref<16x768xf32, #tpu.memory_space<hbm>>
    tpu.enqueue_dma source(%dma_start3A_11 : memref<16x768xf32, #tpu.memory_space<hbm>>) target(%arg8 : memref<16x768xf32, #tpu.memory_space<vmem>>) target_semaphore(%arg14 : memref<!tpu.dma_semaphore, #tpu.memory_space<semaphore_mem>>)
    %dma_start3A_12 = arith.constant 0 : i32
    %dma_start3A_13 = arith.constant 0 : i32
    %dma_start3A_14 = tpu.memref_slice %arg5[%dma_start3A_12, %dma_start3A_13] : memref<576x768xf32, #tpu.memory_space<vmem_shared>> -> memref<16x768xf32, #tpu.memory_space<vmem_shared>>
    %dma_start3A_15 = arith.constant 0 : i32
    %dma_start3A_16 = arith.constant 0 : i32
    %dma_start3A_17 = tpu.memref_slice %arg5[%dma_start3A_15, %dma_start3A_16] : memref<576x768xf32, #tpu.memory_space<vmem_shared>> -> memref<16x768xf32, #tpu.memory_space<vmem_shared>>
    tpu.enqueue_dma source(%dma_start3A_17 : memref<16x768xf32, #tpu.memory_space<vmem_shared>>) target(%arg6 : memref<16x768xf32, #tpu.memory_space<vmem>>) target_semaphore(%arg12 : memref<!tpu.dma_semaphore, #tpu.memory_space<semaphore_mem>>)
    %add3A_18 = arith.constant 18432 : i32
    %add3A_19 = arith.addi %add3A_18, %mul3A_2 : i32
    %add3A_20 = arith.constant 16 : i32
    %add3A_21 = arith.addi %add3A_19, %add3A_20 : i32
    %dma_start3A_22 = arith.constant 0 : i32
    %dma_start3A_23 = tpu.memref_slice %arg2[%add3A_21, %dma_start3A_22] : memref<36864x768xf32, #tpu.memory_space<hbm>> -> memref<16x768xf32, #tpu.memory_space<hbm>>
    %dma_start3A_24 = arith.constant 0 : i32
    %dma_start3A_25 = tpu.memref_slice %arg2[%add3A_21, %dma_start3A_24] : memref<36864x768xf32, #tpu.memory_space<hbm>> -> memref<16x768xf32, #tpu.memory_space<hbm>>
    tpu.enqueue_dma source(%dma_start3A_25 : memref<16x768xf32, #tpu.memory_space<hbm>>) target(%arg9 : memref<16x768xf32, #tpu.memory_space<vmem>>) target_semaphore(%arg15 : memref<!tpu.dma_semaphore, #tpu.memory_space<semaphore_mem>>)
    %dma_start3A_26 = arith.constant 16 : i32
    %dma_start3A_27 = arith.constant 0 : i32
    %dma_start3A_28 = tpu.memref_slice %arg5[%dma_start3A_26, %dma_start3A_27] : memref<576x768xf32, #tpu.memory_space<vmem_shared>> -> memref<16x768xf32, #tpu.memory_space<vmem_shared>>
    %dma_start3A_29 = arith.constant 16 : i32
    %dma_start3A_30 = arith.constant 0 : i32
    %dma_start3A_31 = tpu.memref_slice %arg5[%dma_start3A_29, %dma_start3A_30] : memref<576x768xf32, #tpu.memory_space<vmem_shared>> -> memref<16x768xf32, #tpu.memory_space<vmem_shared>>
    tpu.enqueue_dma source(%dma_start3A_31 : memref<16x768xf32, #tpu.memory_space<vmem_shared>>) target(%arg7 : memref<16x768xf32, #tpu.memory_space<vmem>>) target_semaphore(%arg13 : memref<!tpu.dma_semaphore, #tpu.memory_space<semaphore_mem>>)
    %scan3A = arith.constant 0 : i32
    %scan3A_32 = arith.constant 0 : i32
    %scan3A_33 = arith.constant 9 : i32
    %scan3A_34 = arith.addi %scan3A_32, %scan3A_33 : i32
    %scan3A_35 = arith.constant 1 : i32
    scf.for %scan3A_60 = %scan3A_32 to %scan3A_34 step %scan3A_35  : i32 {
      %mul3A_61 = arith.constant 4 : i32
      %mul3A_62 = arith.muli %scan3A_60, %mul3A_61 : i32
      %add3A_63 = arith.constant 18432 : i32
      %add3A_64 = arith.addi %add3A_63, %mul3A_2 : i32
      %mul3A_65 = arith.constant 16 : i32
      %mul3A_66 = arith.muli %mul3A_62, %mul3A_65 : i32
      %add3A_67 = arith.addi %add3A_64, %mul3A_66 : i32
      %dma_wait3A_68 = arith.constant 0 : i32
      %dma_wait3A_69 = tpu.memref_slice %arg2[%add3A_67, %dma_wait3A_68] : memref<36864x768xf32, #tpu.memory_space<hbm>> -> memref<16x768xf32, #tpu.memory_space<hbm>>
      %dma_wait3A_70 = arith.constant 0 : i32
      %dma_wait3A_71 = tpu.memref_slice %arg2[%add3A_67, %dma_wait3A_70] : memref<36864x768xf32, #tpu.memory_space<hbm>> -> memref<16x768xf32, #tpu.memory_space<hbm>>
      tpu.wait_dma2 semaphore(%arg14 : memref<!tpu.dma_semaphore, #tpu.memory_space<semaphore_mem>>) src(%dma_wait3A_71 : memref<16x768xf32, #tpu.memory_space<hbm>>) dst(%arg8 : memref<16x768xf32, #tpu.memory_space<vmem>>)
      %jit3A = arith.constant 36 : i32
      %eq3A_72 = arith.constant 0 : i32
      %eq3A_73 = arith.cmpi eq, %jit3A, %eq3A_72 : i32
      %jit3A_74 = arith.constant 1 : i32
      %select_n3A = arith.select %eq3A_73, %jit3A_74, %jit3A : i32
      %rem3A = arith.remsi %mul3A_62, %select_n3A : i32
      %ne3A = arith.constant 0 : i32
      %ne3A_75 = arith.cmpi ne, %rem3A, %ne3A : i32
      %lt3A = arith.constant 0 : i32
      %lt3A_76 = arith.cmpi slt, %rem3A, %lt3A : i32
      %lt3A_77 = arith.constant 0 : i32
      %lt3A_78 = arith.cmpi slt, %select_n3A, %lt3A_77 : i32
      %ne3A_79 = arith.xori %lt3A_76, %lt3A_78 : i1
      %and3A = arith.andi %ne3A_79, %ne3A_75 : i1
      %add3A_80 = arith.addi %rem3A, %select_n3A : i32
      %select_n3A_81 = arith.select %and3A, %add3A_80, %rem3A : i32
      %mul3A_82 = arith.constant 16 : i32
      %mul3A_83 = arith.muli %select_n3A_81, %mul3A_82 : i32
      %dma_wait3A_84 = arith.constant 0 : i32
      %dma_wait3A_85 = tpu.memref_slice %arg5[%mul3A_83, %dma_wait3A_84] : memref<576x768xf32, #tpu.memory_space<vmem_shared>> -> memref<16x768xf32, #tpu.memory_space<vmem_shared>>
      %dma_wait3A_86 = arith.constant 0 : i32
      %dma_wait3A_87 = tpu.memref_slice %arg5[%mul3A_83, %dma_wait3A_86] : memref<576x768xf32, #tpu.memory_space<vmem_shared>> -> memref<16x768xf32, #tpu.memory_space<vmem_shared>>
      tpu.wait_dma2 semaphore(%arg12 : memref<!tpu.dma_semaphore, #tpu.memory_space<semaphore_mem>>) src(%dma_wait3A_87 : memref<16x768xf32, #tpu.memory_space<vmem_shared>>) dst(%arg6 : memref<16x768xf32, #tpu.memory_space<vmem>>)
      %parallel_loop3A = arith.constant 0 : i32
      %parallel_loop3A_88 = arith.constant 768 : i32
      %parallel_loop3A_89 = arith.constant 1 : i32
      scf.for %parallel_loop3A_254 = %parallel_loop3A to %parallel_loop3A_88 step %parallel_loop3A_89  : i32 {
        %parallel_loop3A_255 = arith.constant 48 : i32
        %parallel_loop3A_256 = arith.divsi %parallel_loop3A_254, %parallel_loop3A_255 : i32
        %parallel_loop3A_257 = arith.constant 0 : i32
        %parallel_loop3A_258 = arith.cmpi sgt, %parallel_loop3A_254, %parallel_loop3A_257 : i32
        %parallel_loop3A_259 = arith.extui %parallel_loop3A_258 : i1 to i32
        %parallel_loop3A_260 = arith.constant 0 : i32
        %parallel_loop3A_261 = arith.cmpi slt, %parallel_loop3A_254, %parallel_loop3A_260 : i32
        %parallel_loop3A_262 = arith.extui %parallel_loop3A_261 : i1 to i32
        %parallel_loop3A_263 = arith.subi %parallel_loop3A_259, %parallel_loop3A_262 : i32
        %parallel_loop3A_264 = arith.constant 0 : i32
        %parallel_loop3A_265 = arith.cmpi sgt, %parallel_loop3A_255, %parallel_loop3A_264 : i32
        %parallel_loop3A_266 = arith.extui %parallel_loop3A_265 : i1 to i32
        %parallel_loop3A_267 = arith.constant 0 : i32
        %parallel_loop3A_268 = arith.cmpi slt, %parallel_loop3A_255, %parallel_loop3A_267 : i32
        %parallel_loop3A_269 = arith.extui %parallel_loop3A_268 : i1 to i32
        %parallel_loop3A_270 = arith.subi %parallel_loop3A_266, %parallel_loop3A_269 : i32
        %parallel_loop3A_271 = arith.cmpi ne, %parallel_loop3A_263, %parallel_loop3A_270 : i32
        %parallel_loop3A_272 = arith.remsi %parallel_loop3A_254, %parallel_loop3A_255 : i32
        %parallel_loop3A_273 = arith.constant 0 : i32
        %parallel_loop3A_274 = arith.cmpi ne, %parallel_loop3A_272, %parallel_loop3A_273 : i32
        %parallel_loop3A_275 = arith.andi %parallel_loop3A_271, %parallel_loop3A_274 : i1
        %parallel_loop3A_276 = arith.constant 1 : i32
        %parallel_loop3A_277 = arith.subi %parallel_loop3A_256, %parallel_loop3A_276 : i32
        %parallel_loop3A_278 = arith.select %parallel_loop3A_275, %parallel_loop3A_277, %parallel_loop3A_256 : i32
        %parallel_loop3A_279 = arith.constant 48 : i32
        %parallel_loop3A_280 = arith.constant 0 : i32
        %parallel_loop3A_281 = arith.cmpi eq, %parallel_loop3A_279, %parallel_loop3A_280 : i32
        %parallel_loop3A_282 = arith.constant 1 : i32
        %parallel_loop3A_283 = arith.select %parallel_loop3A_281, %parallel_loop3A_282, %parallel_loop3A_279 : i32
        %parallel_loop3A_284 = arith.remsi %parallel_loop3A_254, %parallel_loop3A_283 : i32
        %parallel_loop3A_285 = arith.constant 0 : i32
        %parallel_loop3A_286 = arith.cmpi ne, %parallel_loop3A_284, %parallel_loop3A_285 : i32
        %parallel_loop3A_287 = arith.constant 0 : i32
        %parallel_loop3A_288 = arith.cmpi slt, %parallel_loop3A_284, %parallel_loop3A_287 : i32
        %parallel_loop3A_289 = arith.constant 0 : i32
        %parallel_loop3A_290 = arith.cmpi slt, %parallel_loop3A_283, %parallel_loop3A_289 : i32
        %parallel_loop3A_291 = arith.xori %parallel_loop3A_288, %parallel_loop3A_290 : i1
        %parallel_loop3A_292 = arith.andi %parallel_loop3A_291, %parallel_loop3A_286 : i1
        %parallel_loop3A_293 = arith.addi %parallel_loop3A_284, %parallel_loop3A_283 : i32
        %parallel_loop3A_294 = arith.select %parallel_loop3A_292, %parallel_loop3A_293, %parallel_loop3A_284 : i32
        %parallel_loop3A_295 = arith.constant 16 : i32
        %parallel_loop3A_296 = arith.muli %parallel_loop3A_294, %parallel_loop3A_295 : i32
        %parallel_loop3A_297 = arith.index_cast %parallel_loop3A_278 : i32 to index
        %parallel_loop3A_298 = arith.index_cast %parallel_loop3A_296 : i32 to index
        %parallel_loop3A_299 = tpu.vector_load %arg6[%parallel_loop3A_297, %parallel_loop3A_298] {strides = array<i32>} : memref<16x768xf32, #tpu.memory_space<vmem>>, vector<1x16xf32>,
        %parallel_loop3A_300 = vector.shape_cast %parallel_loop3A_299 : vector<1x16xf32> to vector<16xf32>
        %parallel_loop3A_301 = arith.index_cast %parallel_loop3A_278 : i32 to index
        %parallel_loop3A_302 = arith.index_cast %parallel_loop3A_296 : i32 to index
        %parallel_loop3A_303 = tpu.vector_load %arg8[%parallel_loop3A_301, %parallel_loop3A_302] {strides = array<i32>} : memref<16x768xf32, #tpu.memory_space<vmem>>, vector<1x16xf32>,
        %parallel_loop3A_304 = vector.shape_cast %parallel_loop3A_303 : vector<1x16xf32> to vector<16xf32>
        %parallel_loop3A_305 = vector.shape_cast %parallel_loop3A_300 : vector<16xf32> to vector<1x16xf32>
        tpu.vector_store %arg8[%parallel_loop3A_301, %parallel_loop3A_302], %parallel_loop3A_305 {add = true, strides = array<i32>} : memref<16x768xf32, #tpu.memory_space<vmem>>, vector<1x16xf32>,
      } {sc.loop_unroll_factor = 8 : i64, sc.parallel_access}
      %mul3A_90 = arith.constant 16 : i32
      %mul3A_91 = arith.muli %mul3A_62, %mul3A_90 : i32
      %add3A_92 = arith.addi %mul3A_2, %mul3A_91 : i32
      %dma_start3A_93 = arith.constant 0 : i32
      %dma_start3A_94 = tpu.memref_slice %arg4[%add3A_92, %dma_start3A_93] : memref<18432x768xf32, #tpu.memory_space<hbm>> -> memref<16x768xf32, #tpu.memory_space<hbm>>
      %dma_start3A_95 = arith.constant 0 : i32
      %dma_start3A_96 = tpu.memref_slice %arg4[%add3A_92, %dma_start3A_95] : memref<18432x768xf32, #tpu.memory_space<hbm>> -> memref<16x768xf32, #tpu.memory_space<hbm>>
      tpu.enqueue_dma source(%arg8 : memref<16x768xf32, #tpu.memory_space<vmem>>) target(%dma_start3A_96 : memref<16x768xf32, #tpu.memory_space<hbm>>) target_semaphore(%arg18 : memref<!tpu.dma_semaphore, #tpu.memory_space<semaphore_mem>>)
      %add3A_97 = arith.constant 2 : i32
      %add3A_98 = arith.addi %mul3A_62, %add3A_97 : i32
      %lt3A_99 = arith.constant 36 : i32
      %lt3A_100 = arith.cmpi slt, %add3A_98, %lt3A_99 : i32
      %convert_element_type3A_101 = arith.extui %lt3A_100 : i1 to i32
      %cond3A_102 = arith.constant 0 : i32
      %cond3A_103 = arith.cmpi ne, %convert_element_type3A_101, %cond3A_102 : i32
      scf.if %cond3A_103 {
        %ge3A = arith.constant 2 : i32
        %ge3A_254 = arith.cmpi sge, %mul3A_62, %ge3A : i32
        %convert_element_type3A_255 = arith.extui %ge3A_254 : i1 to i32
        %cond3A_256 = arith.constant 0 : i32
        %cond3A_257 = arith.cmpi ne, %convert_element_type3A_255, %cond3A_256 : i32
        scf.if %cond3A_257 {
          %sub3A = arith.constant 2 : i32
          %sub3A_291 = arith.subi %mul3A_62, %sub3A : i32
          %mul3A_292 = arith.constant 16 : i32
          %mul3A_293 = arith.muli %sub3A_291, %mul3A_292 : i32
          %add3A_294 = arith.addi %mul3A_2, %mul3A_293 : i32
          %dma_wait3A_295 = arith.constant 0 : i32
          %dma_wait3A_296 = tpu.memref_slice %arg4[%add3A_294, %dma_wait3A_295] : memref<18432x768xf32, #tpu.memory_space<hbm>> -> memref<16x768xf32, #tpu.memory_space<hbm>>
          %dma_wait3A_297 = arith.constant 0 : i32
          %dma_wait3A_298 = tpu.memref_slice %arg4[%add3A_294, %dma_wait3A_297] : memref<18432x768xf32, #tpu.memory_space<hbm>> -> memref<16x768xf32, #tpu.memory_space<hbm>>
          tpu.wait_dma2 semaphore(%arg20 : memref<!tpu.dma_semaphore, #tpu.memory_space<semaphore_mem>>) src(%arg10 : memref<16x768xf32, #tpu.memory_space<vmem>>) dst(%dma_wait3A_298 : memref<16x768xf32, #tpu.memory_space<hbm>>)
        } else {
        }
        %add3A_258 = arith.constant 2 : i32
        %add3A_259 = arith.addi %mul3A_62, %add3A_258 : i32
        %add3A_260 = arith.constant 18432 : i32
        %add3A_261 = arith.addi %add3A_260, %mul3A_2 : i32
        %mul3A_262 = arith.constant 16 : i32
        %mul3A_263 = arith.muli %add3A_259, %mul3A_262 : i32
        %add3A_264 = arith.addi %add3A_261, %mul3A_263 : i32
        %dma_start3A_265 = arith.constant 0 : i32
        %dma_start3A_266 = tpu.memref_slice %arg2[%add3A_264, %dma_start3A_265] : memref<36864x768xf32, #tpu.memory_space<hbm>> -> memref<16x768xf32, #tpu.memory_space<hbm>>
        %dma_start3A_267 = arith.constant 0 : i32
        %dma_start3A_268 = tpu.memref_slice %arg2[%add3A_264, %dma_start3A_267] : memref<36864x768xf32, #tpu.memory_space<hbm>> -> memref<16x768xf32, #tpu.memory_space<hbm>>
        tpu.enqueue_dma source(%dma_start3A_268 : memref<16x768xf32, #tpu.memory_space<hbm>>) target(%arg10 : memref<16x768xf32, #tpu.memory_space<vmem>>) target_semaphore(%arg16 : memref<!tpu.dma_semaphore, #tpu.memory_space<semaphore_mem>>)
        %jit3A_269 = arith.constant 36 : i32
        %eq3A_270 = arith.constant 0 : i32
        %eq3A_271 = arith.cmpi eq, %jit3A_269, %eq3A_270 : i32
        %jit3A_272 = arith.constant 1 : i32
        %select_n3A_273 = arith.select %eq3A_271, %jit3A_272, %jit3A_269 : i32
        %rem3A_274 = arith.remsi %add3A_259, %select_n3A_273 : i32
        %ne3A_275 = arith.constant 0 : i32
        %ne3A_276 = arith.cmpi ne, %rem3A_274, %ne3A_275 : i32
        %lt3A_277 = arith.constant 0 : i32
        %lt3A_278 = arith.cmpi slt, %rem3A_274, %lt3A_277 : i32
        %lt3A_279 = arith.constant 0 : i32
        %lt3A_280 = arith.cmpi slt, %select_n3A_273, %lt3A_279 : i32
        %ne3A_281 = arith.xori %lt3A_278, %lt3A_280 : i1
        %and3A_282 = arith.andi %ne3A_281, %ne3A_276 : i1
        %add3A_283 = arith.addi %rem3A_274, %select_n3A_273 : i32
        %select_n3A_284 = arith.select %and3A_282, %add3A_283, %rem3A_274 : i32
        %mul3A_285 = arith.constant 16 : i32
        %mul3A_286 = arith.muli %select_n3A_284, %mul3A_285 : i32
        %dma_start3A_287 = arith.constant 0 : i32
        %dma_start3A_288 = tpu.memref_slice %arg5[%mul3A_286, %dma_start3A_287] : memref<576x768xf32, #tpu.memory_space<vmem_shared>> -> memref<16x768xf32, #tpu.memory_space<vmem_shared>>
        %dma_start3A_289 = arith.constant 0 : i32
        %dma_start3A_290 = tpu.memref_slice %arg5[%mul3A_286, %dma_start3A_289] : memref<576x768xf32, #tpu.memory_space<vmem_shared>> -> memref<16x768xf32, #tpu.memory_space<vmem_shared>>
        tpu.enqueue_dma source(%dma_start3A_290 : memref<16x768xf32, #tpu.memory_space<vmem_shared>>) target(%arg6 : memref<16x768xf32, #tpu.memory_space<vmem>>) target_semaphore(%arg12 : memref<!tpu.dma_semaphore, #tpu.memory_space<semaphore_mem>>)
      } else {
      }
      %add3A_104 = arith.constant 1 : i32
      %add3A_105 = arith.addi %mul3A_62, %add3A_104 : i32
      %add3A_106 = arith.constant 18432 : i32
      %add3A_107 = arith.addi %add3A_106, %mul3A_2 : i32
      %mul3A_108 = arith.constant 16 : i32
      %mul3A_109 = arith.muli %add3A_105, %mul3A_108 : i32
      %add3A_110 = arith.addi %add3A_107, %mul3A_109 : i32
      %dma_wait3A_111 = arith.constant 0 : i32
      %dma_wait3A_112 = tpu.memref_slice %arg2[%add3A_110, %dma_wait3A_111] : memref<36864x768xf32, #tpu.memory_space<hbm>> -> memref<16x768xf32, #tpu.memory_space<hbm>>
      %dma_wait3A_113 = arith.constant 0 : i32
      %dma_wait3A_114 = tpu.memref_slice %arg2[%add3A_110, %dma_wait3A_113] : memref<36864x768xf32, #tpu.memory_space<hbm>> -> memref<16x768xf32, #tpu.memory_space<hbm>>
      tpu.wait_dma2 semaphore(%arg15 : memref<!tpu.dma_semaphore, #tpu.memory_space<semaphore_mem>>) src(%dma_wait3A_114 : memref<16x768xf32, #tpu.memory_space<hbm>>) dst(%arg9 : memref<16x768xf32, #tpu.memory_space<vmem>>)
      %jit3A_115 = arith.constant 36 : i32
      %eq3A_116 = arith.constant 0 : i32
      %eq3A_117 = arith.cmpi eq, %jit3A_115, %eq3A_116 : i32
      %jit3A_118 = arith.constant 1 : i32
      %select_n3A_119 = arith.select %eq3A_117, %jit3A_118, %jit3A_115 : i32
      %rem3A_120 = arith.remsi %add3A_105, %select_n3A_119 : i32
      %ne3A_121 = arith.constant 0 : i32
      %ne3A_122 = arith.cmpi ne, %rem3A_120, %ne3A_121 : i32
      %lt3A_123 = arith.constant 0 : i32
      %lt3A_124 = arith.cmpi slt, %rem3A_120, %lt3A_123 : i32
      %lt3A_125 = arith.constant 0 : i32
      %lt3A_126 = arith.cmpi slt, %select_n3A_119, %lt3A_125 : i32
      %ne3A_127 = arith.xori %lt3A_124, %lt3A_126 : i1
      %and3A_128 = arith.andi %ne3A_127, %ne3A_122 : i1
      %add3A_129 = arith.addi %rem3A_120, %select_n3A_119 : i32
      %select_n3A_130 = arith.select %and3A_128, %add3A_129, %rem3A_120 : i32
      %mul3A_131 = arith.constant 16 : i32
      %mul3A_132 = arith.muli %select_n3A_130, %mul3A_131 : i32
      %dma_wait3A_133 = arith.constant 0 : i32
      %dma_wait3A_134 = tpu.memref_slice %arg5[%mul3A_132, %dma_wait3A_133] : memref<576x768xf32, #tpu.memory_space<vmem_shared>> -> memref<16x768xf32, #tpu.memory_space<vmem_shared>>
      %dma_wait3A_135 = arith.constant 0 : i32
      %dma_wait3A_136 = tpu.memref_slice %arg5[%mul3A_132, %dma_wait3A_135] : memref<576x768xf32, #tpu.memory_space<vmem_shared>> -> memref<16x768xf32, #tpu.memory_space<vmem_shared>>
      tpu.wait_dma2 semaphore(%arg13 : memref<!tpu.dma_semaphore, #tpu.memory_space<semaphore_mem>>) src(%dma_wait3A_136 : memref<16x768xf32, #tpu.memory_space<vmem_shared>>) dst(%arg7 : memref<16x768xf32, #tpu.memory_space<vmem>>)
      %parallel_loop3A_137 = arith.constant 0 : i32
      %parallel_loop3A_138 = arith.constant 768 : i32
      %parallel_loop3A_139 = arith.constant 1 : i32
      scf.for %parallel_loop3A_254 = %parallel_loop3A_137 to %parallel_loop3A_138 step %parallel_loop3A_139  : i32 {
        %parallel_loop3A_255 = arith.constant 48 : i32
        %parallel_loop3A_256 = arith.divsi %parallel_loop3A_254, %parallel_loop3A_255 : i32
        %parallel_loop3A_257 = arith.constant 0 : i32
        %parallel_loop3A_258 = arith.cmpi sgt, %parallel_loop3A_254, %parallel_loop3A_257 : i32
        %parallel_loop3A_259 = arith.extui %parallel_loop3A_258 : i1 to i32
        %parallel_loop3A_260 = arith.constant 0 : i32
        %parallel_loop3A_261 = arith.cmpi slt, %parallel_loop3A_254, %parallel_loop3A_260 : i32
        %parallel_loop3A_262 = arith.extui %parallel_loop3A_261 : i1 to i32
        %parallel_loop3A_263 = arith.subi %parallel_loop3A_259, %parallel_loop3A_262 : i32
        %parallel_loop3A_264 = arith.constant 0 : i32
        %parallel_loop3A_265 = arith.cmpi sgt, %parallel_loop3A_255, %parallel_loop3A_264 : i32
        %parallel_loop3A_266 = arith.extui %parallel_loop3A_265 : i1 to i32
        %parallel_loop3A_267 = arith.constant 0 : i32
        %parallel_loop3A_268 = arith.cmpi slt, %parallel_loop3A_255, %parallel_loop3A_267 : i32
        %parallel_loop3A_269 = arith.extui %parallel_loop3A_268 : i1 to i32
        %parallel_loop3A_270 = arith.subi %parallel_loop3A_266, %parallel_loop3A_269 : i32
        %parallel_loop3A_271 = arith.cmpi ne, %parallel_loop3A_263, %parallel_loop3A_270 : i32
        %parallel_loop3A_272 = arith.remsi %parallel_loop3A_254, %parallel_loop3A_255 : i32
        %parallel_loop3A_273 = arith.constant 0 : i32
        %parallel_loop3A_274 = arith.cmpi ne, %parallel_loop3A_272, %parallel_loop3A_273 : i32
        %parallel_loop3A_275 = arith.andi %parallel_loop3A_271, %parallel_loop3A_274 : i1
        %parallel_loop3A_276 = arith.constant 1 : i32
        %parallel_loop3A_277 = arith.subi %parallel_loop3A_256, %parallel_loop3A_276 : i32
        %parallel_loop3A_278 = arith.select %parallel_loop3A_275, %parallel_loop3A_277, %parallel_loop3A_256 : i32
        %parallel_loop3A_279 = arith.constant 48 : i32
        %parallel_loop3A_280 = arith.constant 0 : i32
        %parallel_loop3A_281 = arith.cmpi eq, %parallel_loop3A_279, %parallel_loop3A_280 : i32
        %parallel_loop3A_282 = arith.constant 1 : i32
        %parallel_loop3A_283 = arith.select %parallel_loop3A_281, %parallel_loop3A_282, %parallel_loop3A_279 : i32
        %parallel_loop3A_284 = arith.remsi %parallel_loop3A_254, %parallel_loop3A_283 : i32
        %parallel_loop3A_285 = arith.constant 0 : i32
        %parallel_loop3A_286 = arith.cmpi ne, %parallel_loop3A_284, %parallel_loop3A_285 : i32
        %parallel_loop3A_287 = arith.constant 0 : i32
        %parallel_loop3A_288 = arith.cmpi slt, %parallel_loop3A_284, %parallel_loop3A_287 : i32
        %parallel_loop3A_289 = arith.constant 0 : i32
        %parallel_loop3A_290 = arith.cmpi slt, %parallel_loop3A_283, %parallel_loop3A_289 : i32
        %parallel_loop3A_291 = arith.xori %parallel_loop3A_288, %parallel_loop3A_290 : i1
        %parallel_loop3A_292 = arith.andi %parallel_loop3A_291, %parallel_loop3A_286 : i1
        %parallel_loop3A_293 = arith.addi %parallel_loop3A_284, %parallel_loop3A_283 : i32
        %parallel_loop3A_294 = arith.select %parallel_loop3A_292, %parallel_loop3A_293, %parallel_loop3A_284 : i32
        %parallel_loop3A_295 = arith.constant 16 : i32
        %parallel_loop3A_296 = arith.muli %parallel_loop3A_294, %parallel_loop3A_295 : i32
        %parallel_loop3A_297 = arith.index_cast %parallel_loop3A_278 : i32 to index
        %parallel_loop3A_298 = arith.index_cast %parallel_loop3A_296 : i32 to index
        %parallel_loop3A_299 = tpu.vector_load %arg7[%parallel_loop3A_297, %parallel_loop3A_298] {strides = array<i32>} : memref<16x768xf32, #tpu.memory_space<vmem>>, vector<1x16xf32>,
        %parallel_loop3A_300 = vector.shape_cast %parallel_loop3A_299 : vector<1x16xf32> to vector<16xf32>
        %parallel_loop3A_301 = arith.index_cast %parallel_loop3A_278 : i32 to index
        %parallel_loop3A_302 = arith.index_cast %parallel_loop3A_296 : i32 to index
        %parallel_loop3A_303 = tpu.vector_load %arg9[%parallel_loop3A_301, %parallel_loop3A_302] {strides = array<i32>} : memref<16x768xf32, #tpu.memory_space<vmem>>, vector<1x16xf32>,
        %parallel_loop3A_304 = vector.shape_cast %parallel_loop3A_303 : vector<1x16xf32> to vector<16xf32>
        %parallel_loop3A_305 = vector.shape_cast %parallel_loop3A_300 : vector<16xf32> to vector<1x16xf32>
        tpu.vector_store %arg9[%parallel_loop3A_301, %parallel_loop3A_302], %parallel_loop3A_305 {add = true, strides = array<i32>} : memref<16x768xf32, #tpu.memory_space<vmem>>, vector<1x16xf32>,
      } {sc.loop_unroll_factor = 8 : i64, sc.parallel_access}
      %mul3A_140 = arith.constant 16 : i32
      %mul3A_141 = arith.muli %add3A_105, %mul3A_140 : i32
      %add3A_142 = arith.addi %mul3A_2, %mul3A_141 : i32
      %dma_start3A_143 = arith.constant 0 : i32
      %dma_start3A_144 = tpu.memref_slice %arg4[%add3A_142, %dma_start3A_143] : memref<18432x768xf32, #tpu.memory_space<hbm>> -> memref<16x768xf32, #tpu.memory_space<hbm>>
      %dma_start3A_145 = arith.constant 0 : i32
      %dma_start3A_146 = tpu.memref_slice %arg4[%add3A_142, %dma_start3A_145] : memref<18432x768xf32, #tpu.memory_space<hbm>> -> memref<16x768xf32, #tpu.memory_space<hbm>>
      tpu.enqueue_dma source(%arg9 : memref<16x768xf32, #tpu.memory_space<vmem>>) target(%dma_start3A_146 : memref<16x768xf32, #tpu.memory_space<hbm>>) target_semaphore(%arg19 : memref<!tpu.dma_semaphore, #tpu.memory_space<semaphore_mem>>)
      %add3A_147 = arith.constant 2 : i32
      %add3A_148 = arith.addi %add3A_105, %add3A_147 : i32
      %lt3A_149 = arith.constant 36 : i32
      %lt3A_150 = arith.cmpi slt, %add3A_148, %lt3A_149 : i32
      %convert_element_type3A_151 = arith.extui %lt3A_150 : i1 to i32
      %cond3A_152 = arith.constant 0 : i32
      %cond3A_153 = arith.cmpi ne, %convert_element_type3A_151, %cond3A_152 : i32
      scf.if %cond3A_153 {
        %ge3A = arith.constant 2 : i32
        %ge3A_254 = arith.cmpi sge, %add3A_105, %ge3A : i32
        %convert_element_type3A_255 = arith.extui %ge3A_254 : i1 to i32
        %cond3A_256 = arith.constant 0 : i32
        %cond3A_257 = arith.cmpi ne, %convert_element_type3A_255, %cond3A_256 : i32
        scf.if %cond3A_257 {
          %sub3A = arith.constant 2 : i32
          %sub3A_291 = arith.subi %add3A_105, %sub3A : i32
          %mul3A_292 = arith.constant 16 : i32
          %mul3A_293 = arith.muli %sub3A_291, %mul3A_292 : i32
          %add3A_294 = arith.addi %mul3A_2, %mul3A_293 : i32
          %dma_wait3A_295 = arith.constant 0 : i32
          %dma_wait3A_296 = tpu.memref_slice %arg4[%add3A_294, %dma_wait3A_295] : memref<18432x768xf32, #tpu.memory_space<hbm>> -> memref<16x768xf32, #tpu.memory_space<hbm>>
          %dma_wait3A_297 = arith.constant 0 : i32
          %dma_wait3A_298 = tpu.memref_slice %arg4[%add3A_294, %dma_wait3A_297] : memref<18432x768xf32, #tpu.memory_space<hbm>> -> memref<16x768xf32, #tpu.memory_space<hbm>>
          tpu.wait_dma2 semaphore(%arg21 : memref<!tpu.dma_semaphore, #tpu.memory_space<semaphore_mem>>) src(%arg11 : memref<16x768xf32, #tpu.memory_space<vmem>>) dst(%dma_wait3A_298 : memref<16x768xf32, #tpu.memory_space<hbm>>)
        } else {
        }
        %add3A_258 = arith.constant 2 : i32
        %add3A_259 = arith.addi %add3A_105, %add3A_258 : i32
        %add3A_260 = arith.constant 18432 : i32
        %add3A_261 = arith.addi %add3A_260, %mul3A_2 : i32
        %mul3A_262 = arith.constant 16 : i32
        %mul3A_263 = arith.muli %add3A_259, %mul3A_262 : i32
        %add3A_264 = arith.addi %add3A_261, %mul3A_263 : i32
        %dma_start3A_265 = arith.constant 0 : i32
        %dma_start3A_266 = tpu.memref_slice %arg2[%add3A_264, %dma_start3A_265] : memref<36864x768xf32, #tpu.memory_space<hbm>> -> memref<16x768xf32, #tpu.memory_space<hbm>>
        %dma_start3A_267 = arith.constant 0 : i32
        %dma_start3A_268 = tpu.memref_slice %arg2[%add3A_264, %dma_start3A_267] : memref<36864x768xf32, #tpu.memory_space<hbm>> -> memref<16x768xf32, #tpu.memory_space<hbm>>
        tpu.enqueue_dma source(%dma_start3A_268 : memref<16x768xf32, #tpu.memory_space<hbm>>) target(%arg11 : memref<16x768xf32, #tpu.memory_space<vmem>>) target_semaphore(%arg17 : memref<!tpu.dma_semaphore, #tpu.memory_space<semaphore_mem>>)
        %jit3A_269 = arith.constant 36 : i32
        %eq3A_270 = arith.constant 0 : i32
        %eq3A_271 = arith.cmpi eq, %jit3A_269, %eq3A_270 : i32
        %jit3A_272 = arith.constant 1 : i32
        %select_n3A_273 = arith.select %eq3A_271, %jit3A_272, %jit3A_269 : i32
        %rem3A_274 = arith.remsi %add3A_259, %select_n3A_273 : i32
        %ne3A_275 = arith.constant 0 : i32
        %ne3A_276 = arith.cmpi ne, %rem3A_274, %ne3A_275 : i32
        %lt3A_277 = arith.constant 0 : i32
        %lt3A_278 = arith.cmpi slt, %rem3A_274, %lt3A_277 : i32
        %lt3A_279 = arith.constant 0 : i32
        %lt3A_280 = arith.cmpi slt, %select_n3A_273, %lt3A_279 : i32
        %ne3A_281 = arith.xori %lt3A_278, %lt3A_280 : i1
        %and3A_282 = arith.andi %ne3A_281, %ne3A_276 : i1
        %add3A_283 = arith.addi %rem3A_274, %select_n3A_273 : i32
        %select_n3A_284 = arith.select %and3A_282, %add3A_283, %rem3A_274 : i32
        %mul3A_285 = arith.constant 16 : i32
        %mul3A_286 = arith.muli %select_n3A_284, %mul3A_285 : i32
        %dma_start3A_287 = arith.constant 0 : i32
        %dma_start3A_288 = tpu.memref_slice %arg5[%mul3A_286, %dma_start3A_287] : memref<576x768xf32, #tpu.memory_space<vmem_shared>> -> memref<16x768xf32, #tpu.memory_space<vmem_shared>>
        %dma_start3A_289 = arith.constant 0 : i32
        %dma_start3A_290 = tpu.memref_slice %arg5[%mul3A_286, %dma_start3A_289] : memref<576x768xf32, #tpu.memory_space<vmem_shared>> -> memref<16x768xf32, #tpu.memory_space<vmem_shared>>
        tpu.enqueue_dma source(%dma_start3A_290 : memref<16x768xf32, #tpu.memory_space<vmem_shared>>) target(%arg7 : memref<16x768xf32, #tpu.memory_space<vmem>>) target_semaphore(%arg13 : memref<!tpu.dma_semaphore, #tpu.memory_space<semaphore_mem>>)
      } else {
      }
      %add3A_154 = arith.constant 2 : i32
      %add3A_155 = arith.addi %mul3A_62, %add3A_154 : i32
      %add3A_156 = arith.constant 18432 : i32
      %add3A_157 = arith.addi %add3A_156, %mul3A_2 : i32
      %mul3A_158 = arith.constant 16 : i32
      %mul3A_159 = arith.muli %add3A_155, %mul3A_158 : i32
      %add3A_160 = arith.addi %add3A_157, %mul3A_159 : i32
      %dma_wait3A_161 = arith.constant 0 : i32
      %dma_wait3A_162 = tpu.memref_slice %arg2[%add3A_160, %dma_wait3A_161] : memref<36864x768xf32, #tpu.memory_space<hbm>> -> memref<16x768xf32, #tpu.memory_space<hbm>>
      %dma_wait3A_163 = arith.constant 0 : i32
      %dma_wait3A_164 = tpu.memref_slice %arg2[%add3A_160, %dma_wait3A_163] : memref<36864x768xf32, #tpu.memory_space<hbm>> -> memref<16x768xf32, #tpu.memory_space<hbm>>
      tpu.wait_dma2 semaphore(%arg16 : memref<!tpu.dma_semaphore, #tpu.memory_space<semaphore_mem>>) src(%dma_wait3A_164 : memref<16x768xf32, #tpu.memory_space<hbm>>) dst(%arg10 : memref<16x768xf32, #tpu.memory_space<vmem>>)
      %jit3A_165 = arith.constant 36 : i32
      %eq3A_166 = arith.constant 0 : i32
      %eq3A_167 = arith.cmpi eq, %jit3A_165, %eq3A_166 : i32
      %jit3A_168 = arith.constant 1 : i32
      %select_n3A_169 = arith.select %eq3A_167, %jit3A_168, %jit3A_165 : i32
      %rem3A_170 = arith.remsi %add3A_155, %select_n3A_169 : i32
      %ne3A_171 = arith.constant 0 : i32
      %ne3A_172 = arith.cmpi ne, %rem3A_170, %ne3A_171 : i32
      %lt3A_173 = arith.constant 0 : i32
      %lt3A_174 = arith.cmpi slt, %rem3A_170, %lt3A_173 : i32
      %lt3A_175 = arith.constant 0 : i32
      %lt3A_176 = arith.cmpi slt, %select_n3A_169, %lt3A_175 : i32
      %ne3A_177 = arith.xori %lt3A_174, %lt3A_176 : i1
      %and3A_178 = arith.andi %ne3A_177, %ne3A_172 : i1
      %add3A_179 = arith.addi %rem3A_170, %select_n3A_169 : i32
      %select_n3A_180 = arith.select %and3A_178, %add3A_179, %rem3A_170 : i32
      %mul3A_181 = arith.constant 16 : i32
      %mul3A_182 = arith.muli %select_n3A_180, %mul3A_181 : i32
      %dma_wait3A_183 = arith.constant 0 : i32
      %dma_wait3A_184 = tpu.memref_slice %arg5[%mul3A_182, %dma_wait3A_183] : memref<576x768xf32, #tpu.memory_space<vmem_shared>> -> memref<16x768xf32, #tpu.memory_space<vmem_shared>>
      %dma_wait3A_185 = arith.constant 0 : i32
      %dma_wait3A_186 = tpu.memref_slice %arg5[%mul3A_182, %dma_wait3A_185] : memref<576x768xf32, #tpu.memory_space<vmem_shared>> -> memref<16x768xf32, #tpu.memory_space<vmem_shared>>
      tpu.wait_dma2 semaphore(%arg12 : memref<!tpu.dma_semaphore, #tpu.memory_space<semaphore_mem>>) src(%dma_wait3A_186 : memref<16x768xf32, #tpu.memory_space<vmem_shared>>) dst(%arg6 : memref<16x768xf32, #tpu.memory_space<vmem>>)
      %parallel_loop3A_187 = arith.constant 0 : i32
      %parallel_loop3A_188 = arith.constant 768 : i32
      %parallel_loop3A_189 = arith.constant 1 : i32
      scf.for %parallel_loop3A_254 = %parallel_loop3A_187 to %parallel_loop3A_188 step %parallel_loop3A_189  : i32 {
        %parallel_loop3A_255 = arith.constant 48 : i32
        %parallel_loop3A_256 = arith.divsi %parallel_loop3A_254, %parallel_loop3A_255 : i32
        %parallel_loop3A_257 = arith.constant 0 : i32
        %parallel_loop3A_258 = arith.cmpi sgt, %parallel_loop3A_254, %parallel_loop3A_257 : i32
        %parallel_loop3A_259 = arith.extui %parallel_loop3A_258 : i1 to i32
        %parallel_loop3A_260 = arith.constant 0 : i32
        %parallel_loop3A_261 = arith.cmpi slt, %parallel_loop3A_254, %parallel_loop3A_260 : i32
        %parallel_loop3A_262 = arith.extui %parallel_loop3A_261 : i1 to i32
        %parallel_loop3A_263 = arith.subi %parallel_loop3A_259, %parallel_loop3A_262 : i32
        %parallel_loop3A_264 = arith.constant 0 : i32
        %parallel_loop3A_265 = arith.cmpi sgt, %parallel_loop3A_255, %parallel_loop3A_264 : i32
        %parallel_loop3A_266 = arith.extui %parallel_loop3A_265 : i1 to i32
        %parallel_loop3A_267 = arith.constant 0 : i32
        %parallel_loop3A_268 = arith.cmpi slt, %parallel_loop3A_255, %parallel_loop3A_267 : i32
        %parallel_loop3A_269 = arith.extui %parallel_loop3A_268 : i1 to i32
        %parallel_loop3A_270 = arith.subi %parallel_loop3A_266, %parallel_loop3A_269 : i32
        %parallel_loop3A_271 = arith.cmpi ne, %parallel_loop3A_263, %parallel_loop3A_270 : i32
        %parallel_loop3A_272 = arith.remsi %parallel_loop3A_254, %parallel_loop3A_255 : i32
        %parallel_loop3A_273 = arith.constant 0 : i32
        %parallel_loop3A_274 = arith.cmpi ne, %parallel_loop3A_272, %parallel_loop3A_273 : i32
        %parallel_loop3A_275 = arith.andi %parallel_loop3A_271, %parallel_loop3A_274 : i1
        %parallel_loop3A_276 = arith.constant 1 : i32
        %parallel_loop3A_277 = arith.subi %parallel_loop3A_256, %parallel_loop3A_276 : i32
        %parallel_loop3A_278 = arith.select %parallel_loop3A_275, %parallel_loop3A_277, %parallel_loop3A_256 : i32
        %parallel_loop3A_279 = arith.constant 48 : i32
        %parallel_loop3A_280 = arith.constant 0 : i32
        %parallel_loop3A_281 = arith.cmpi eq, %parallel_loop3A_279, %parallel_loop3A_280 : i32
        %parallel_loop3A_282 = arith.constant 1 : i32
        %parallel_loop3A_283 = arith.select %parallel_loop3A_281, %parallel_loop3A_282, %parallel_loop3A_279 : i32
        %parallel_loop3A_284 = arith.remsi %parallel_loop3A_254, %parallel_loop3A_283 : i32
        %parallel_loop3A_285 = arith.constant 0 : i32
        %parallel_loop3A_286 = arith.cmpi ne, %parallel_loop3A_284, %parallel_loop3A_285 : i32
        %parallel_loop3A_287 = arith.constant 0 : i32
        %parallel_loop3A_288 = arith.cmpi slt, %parallel_loop3A_284, %parallel_loop3A_287 : i32
        %parallel_loop3A_289 = arith.constant 0 : i32
        %parallel_loop3A_290 = arith.cmpi slt, %parallel_loop3A_283, %parallel_loop3A_289 : i32
        %parallel_loop3A_291 = arith.xori %parallel_loop3A_288, %parallel_loop3A_290 : i1
        %parallel_loop3A_292 = arith.andi %parallel_loop3A_291, %parallel_loop3A_286 : i1
        %parallel_loop3A_293 = arith.addi %parallel_loop3A_284, %parallel_loop3A_283 : i32
        %parallel_loop3A_294 = arith.select %parallel_loop3A_292, %parallel_loop3A_293, %parallel_loop3A_284 : i32
        %parallel_loop3A_295 = arith.constant 16 : i32
        %parallel_loop3A_296 = arith.muli %parallel_loop3A_294, %parallel_loop3A_295 : i32
        %parallel_loop3A_297 = arith.index_cast %parallel_loop3A_278 : i32 to index
        %parallel_loop3A_298 = arith.index_cast %parallel_loop3A_296 : i32 to index
        %parallel_loop3A_299 = tpu.vector_load %arg6[%parallel_loop3A_297, %parallel_loop3A_298] {strides = array<i32>} : memref<16x768xf32, #tpu.memory_space<vmem>>, vector<1x16xf32>,
        %parallel_loop3A_300 = vector.shape_cast %parallel_loop3A_299 : vector<1x16xf32> to vector<16xf32>
        %parallel_loop3A_301 = arith.index_cast %parallel_loop3A_278 : i32 to index
        %parallel_loop3A_302 = arith.index_cast %parallel_loop3A_296 : i32 to index
        %parallel_loop3A_303 = tpu.vector_load %arg10[%parallel_loop3A_301, %parallel_loop3A_302] {strides = array<i32>} : memref<16x768xf32, #tpu.memory_space<vmem>>, vector<1x16xf32>,
        %parallel_loop3A_304 = vector.shape_cast %parallel_loop3A_303 : vector<1x16xf32> to vector<16xf32>
        %parallel_loop3A_305 = vector.shape_cast %parallel_loop3A_300 : vector<16xf32> to vector<1x16xf32>
        tpu.vector_store %arg10[%parallel_loop3A_301, %parallel_loop3A_302], %parallel_loop3A_305 {add = true, strides = array<i32>} : memref<16x768xf32, #tpu.memory_space<vmem>>, vector<1x16xf32>,
      } {sc.loop_unroll_factor = 8 : i64, sc.parallel_access}
      %mul3A_190 = arith.constant 16 : i32
      %mul3A_191 = arith.muli %add3A_155, %mul3A_190 : i32
      %add3A_192 = arith.addi %mul3A_2, %mul3A_191 : i32
      %dma_start3A_193 = arith.constant 0 : i32
      %dma_start3A_194 = tpu.memref_slice %arg4[%add3A_192, %dma_start3A_193] : memref<18432x768xf32, #tpu.memory_space<hbm>> -> memref<16x768xf32, #tpu.memory_space<hbm>>
      %dma_start3A_195 = arith.constant 0 : i32
      %dma_start3A_196 = tpu.memref_slice %arg4[%add3A_192, %dma_start3A_195] : memref<18432x768xf32, #tpu.memory_space<hbm>> -> memref<16x768xf32, #tpu.memory_space<hbm>>
      tpu.enqueue_dma source(%arg10 : memref<16x768xf32, #tpu.memory_space<vmem>>) target(%dma_start3A_196 : memref<16x768xf32, #tpu.memory_space<hbm>>) target_semaphore(%arg20 : memref<!tpu.dma_semaphore, #tpu.memory_space<semaphore_mem>>)
      %add3A_197 = arith.constant 2 : i32
      %add3A_198 = arith.addi %add3A_155, %add3A_197 : i32
      %lt3A_199 = arith.constant 36 : i32
      %lt3A_200 = arith.cmpi slt, %add3A_198, %lt3A_199 : i32
      %convert_element_type3A_201 = arith.extui %lt3A_200 : i1 to i32
      %cond3A_202 = arith.constant 0 : i32
      %cond3A_203 = arith.cmpi ne, %convert_element_type3A_201, %cond3A_202 : i32
      scf.if %cond3A_203 {
        %ge3A = arith.constant 2 : i32
        %ge3A_254 = arith.cmpi sge, %add3A_155, %ge3A : i32
        %convert_element_type3A_255 = arith.extui %ge3A_254 : i1 to i32
        %cond3A_256 = arith.constant 0 : i32
        %cond3A_257 = arith.cmpi ne, %convert_element_type3A_255, %cond3A_256 : i32
        scf.if %cond3A_257 {
          %sub3A = arith.constant 2 : i32
          %sub3A_291 = arith.subi %add3A_155, %sub3A : i32
          %mul3A_292 = arith.constant 16 : i32
          %mul3A_293 = arith.muli %sub3A_291, %mul3A_292 : i32
          %add3A_294 = arith.addi %mul3A_2, %mul3A_293 : i32
          %dma_wait3A_295 = arith.constant 0 : i32
          %dma_wait3A_296 = tpu.memref_slice %arg4[%add3A_294, %dma_wait3A_295] : memref<18432x768xf32, #tpu.memory_space<hbm>> -> memref<16x768xf32, #tpu.memory_space<hbm>>
          %dma_wait3A_297 = arith.constant 0 : i32
          %dma_wait3A_298 = tpu.memref_slice %arg4[%add3A_294, %dma_wait3A_297] : memref<18432x768xf32, #tpu.memory_space<hbm>> -> memref<16x768xf32, #tpu.memory_space<hbm>>
          tpu.wait_dma2 semaphore(%arg18 : memref<!tpu.dma_semaphore, #tpu.memory_space<semaphore_mem>>) src(%arg8 : memref<16x768xf32, #tpu.memory_space<vmem>>) dst(%dma_wait3A_298 : memref<16x768xf32, #tpu.memory_space<hbm>>)
        } else {
        }
        %add3A_258 = arith.constant 2 : i32
        %add3A_259 = arith.addi %add3A_155, %add3A_258 : i32
        %add3A_260 = arith.constant 18432 : i32
        %add3A_261 = arith.addi %add3A_260, %mul3A_2 : i32
        %mul3A_262 = arith.constant 16 : i32
        %mul3A_263 = arith.muli %add3A_259, %mul3A_262 : i32
        %add3A_264 = arith.addi %add3A_261, %mul3A_263 : i32
        %dma_start3A_265 = arith.constant 0 : i32
        %dma_start3A_266 = tpu.memref_slice %arg2[%add3A_264, %dma_start3A_265] : memref<36864x768xf32, #tpu.memory_space<hbm>> -> memref<16x768xf32, #tpu.memory_space<hbm>>
        %dma_start3A_267 = arith.constant 0 : i32
        %dma_start3A_268 = tpu.memref_slice %arg2[%add3A_264, %dma_start3A_267] : memref<36864x768xf32, #tpu.memory_space<hbm>> -> memref<16x768xf32, #tpu.memory_space<hbm>>
        tpu.enqueue_dma source(%dma_start3A_268 : memref<16x768xf32, #tpu.memory_space<hbm>>) target(%arg8 : memref<16x768xf32, #tpu.memory_space<vmem>>) target_semaphore(%arg14 : memref<!tpu.dma_semaphore, #tpu.memory_space<semaphore_mem>>)
        %jit3A_269 = arith.constant 36 : i32
        %eq3A_270 = arith.constant 0 : i32
        %eq3A_271 = arith.cmpi eq, %jit3A_269, %eq3A_270 : i32
        %jit3A_272 = arith.constant 1 : i32
        %select_n3A_273 = arith.select %eq3A_271, %jit3A_272, %jit3A_269 : i32
        %rem3A_274 = arith.remsi %add3A_259, %select_n3A_273 : i32
        %ne3A_275 = arith.constant 0 : i32
        %ne3A_276 = arith.cmpi ne, %rem3A_274, %ne3A_275 : i32
        %lt3A_277 = arith.constant 0 : i32
        %lt3A_278 = arith.cmpi slt, %rem3A_274, %lt3A_277 : i32
        %lt3A_279 = arith.constant 0 : i32
        %lt3A_280 = arith.cmpi slt, %select_n3A_273, %lt3A_279 : i32
        %ne3A_281 = arith.xori %lt3A_278, %lt3A_280 : i1
        %and3A_282 = arith.andi %ne3A_281, %ne3A_276 : i1
        %add3A_283 = arith.addi %rem3A_274, %select_n3A_273 : i32
        %select_n3A_284 = arith.select %and3A_282, %add3A_283, %rem3A_274 : i32
        %mul3A_285 = arith.constant 16 : i32
        %mul3A_286 = arith.muli %select_n3A_284, %mul3A_285 : i32
        %dma_start3A_287 = arith.constant 0 : i32
        %dma_start3A_288 = tpu.memref_slice %arg5[%mul3A_286, %dma_start3A_287] : memref<576x768xf32, #tpu.memory_space<vmem_shared>> -> memref<16x768xf32, #tpu.memory_space<vmem_shared>>
        %dma_start3A_289 = arith.constant 0 : i32
        %dma_start3A_290 = tpu.memref_slice %arg5[%mul3A_286, %dma_start3A_289] : memref<576x768xf32, #tpu.memory_space<vmem_shared>> -> memref<16x768xf32, #tpu.memory_space<vmem_shared>>
        tpu.enqueue_dma source(%dma_start3A_290 : memref<16x768xf32, #tpu.memory_space<vmem_shared>>) target(%arg6 : memref<16x768xf32, #tpu.memory_space<vmem>>) target_semaphore(%arg12 : memref<!tpu.dma_semaphore, #tpu.memory_space<semaphore_mem>>)
      } else {
      }
      %add3A_204 = arith.constant 3 : i32
      %add3A_205 = arith.addi %mul3A_62, %add3A_204 : i32
      %add3A_206 = arith.constant 18432 : i32
      %add3A_207 = arith.addi %add3A_206, %mul3A_2 : i32
      %mul3A_208 = arith.constant 16 : i32
      %mul3A_209 = arith.muli %add3A_205, %mul3A_208 : i32
      %add3A_210 = arith.addi %add3A_207, %mul3A_209 : i32
      %dma_wait3A_211 = arith.constant 0 : i32
      %dma_wait3A_212 = tpu.memref_slice %arg2[%add3A_210, %dma_wait3A_211] : memref<36864x768xf32, #tpu.memory_space<hbm>> -> memref<16x768xf32, #tpu.memory_space<hbm>>
      %dma_wait3A_213 = arith.constant 0 : i32
      %dma_wait3A_214 = tpu.memref_slice %arg2[%add3A_210, %dma_wait3A_213] : memref<36864x768xf32, #tpu.memory_space<hbm>> -> memref<16x768xf32, #tpu.memory_space<hbm>>
      tpu.wait_dma2 semaphore(%arg17 : memref<!tpu.dma_semaphore, #tpu.memory_space<semaphore_mem>>) src(%dma_wait3A_214 : memref<16x768xf32, #tpu.memory_space<hbm>>) dst(%arg11 : memref<16x768xf32, #tpu.memory_space<vmem>>)
      %jit3A_215 = arith.constant 36 : i32
      %eq3A_216 = arith.constant 0 : i32
      %eq3A_217 = arith.cmpi eq, %jit3A_215, %eq3A_216 : i32
      %jit3A_218 = arith.constant 1 : i32
      %select_n3A_219 = arith.select %eq3A_217, %jit3A_218, %jit3A_215 : i32
      %rem3A_220 = arith.remsi %add3A_205, %select_n3A_219 : i32
      %ne3A_221 = arith.constant 0 : i32
      %ne3A_222 = arith.cmpi ne, %rem3A_220, %ne3A_221 : i32
      %lt3A_223 = arith.constant 0 : i32
      %lt3A_224 = arith.cmpi slt, %rem3A_220, %lt3A_223 : i32
      %lt3A_225 = arith.constant 0 : i32
      %lt3A_226 = arith.cmpi slt, %select_n3A_219, %lt3A_225 : i32
      %ne3A_227 = arith.xori %lt3A_224, %lt3A_226 : i1
      %and3A_228 = arith.andi %ne3A_227, %ne3A_222 : i1
      %add3A_229 = arith.addi %rem3A_220, %select_n3A_219 : i32
      %select_n3A_230 = arith.select %and3A_228, %add3A_229, %rem3A_220 : i32
      %mul3A_231 = arith.constant 16 : i32
      %mul3A_232 = arith.muli %select_n3A_230, %mul3A_231 : i32
      %dma_wait3A_233 = arith.constant 0 : i32
      %dma_wait3A_234 = tpu.memref_slice %arg5[%mul3A_232, %dma_wait3A_233] : memref<576x768xf32, #tpu.memory_space<vmem_shared>> -> memref<16x768xf32, #tpu.memory_space<vmem_shared>>
      %dma_wait3A_235 = arith.constant 0 : i32
      %dma_wait3A_236 = tpu.memref_slice %arg5[%mul3A_232, %dma_wait3A_235] : memref<576x768xf32, #tpu.memory_space<vmem_shared>> -> memref<16x768xf32, #tpu.memory_space<vmem_shared>>
      tpu.wait_dma2 semaphore(%arg13 : memref<!tpu.dma_semaphore, #tpu.memory_space<semaphore_mem>>) src(%dma_wait3A_236 : memref<16x768xf32, #tpu.memory_space<vmem_shared>>) dst(%arg7 : memref<16x768xf32, #tpu.memory_space<vmem>>)
      %parallel_loop3A_237 = arith.constant 0 : i32
      %parallel_loop3A_238 = arith.constant 768 : i32
      %parallel_loop3A_239 = arith.constant 1 : i32
      scf.for %parallel_loop3A_254 = %parallel_loop3A_237 to %parallel_loop3A_238 step %parallel_loop3A_239  : i32 {
        %parallel_loop3A_255 = arith.constant 48 : i32
        %parallel_loop3A_256 = arith.divsi %parallel_loop3A_254, %parallel_loop3A_255 : i32
        %parallel_loop3A_257 = arith.constant 0 : i32
        %parallel_loop3A_258 = arith.cmpi sgt, %parallel_loop3A_254, %parallel_loop3A_257 : i32
        %parallel_loop3A_259 = arith.extui %parallel_loop3A_258 : i1 to i32
        %parallel_loop3A_260 = arith.constant 0 : i32
        %parallel_loop3A_261 = arith.cmpi slt, %parallel_loop3A_254, %parallel_loop3A_260 : i32
        %parallel_loop3A_262 = arith.extui %parallel_loop3A_261 : i1 to i32
        %parallel_loop3A_263 = arith.subi %parallel_loop3A_259, %parallel_loop3A_262 : i32
        %parallel_loop3A_264 = arith.constant 0 : i32
        %parallel_loop3A_265 = arith.cmpi sgt, %parallel_loop3A_255, %parallel_loop3A_264 : i32
        %parallel_loop3A_266 = arith.extui %parallel_loop3A_265 : i1 to i32
        %parallel_loop3A_267 = arith.constant 0 : i32
        %parallel_loop3A_268 = arith.cmpi slt, %parallel_loop3A_255, %parallel_loop3A_267 : i32
        %parallel_loop3A_269 = arith.extui %parallel_loop3A_268 : i1 to i32
        %parallel_loop3A_270 = arith.subi %parallel_loop3A_266, %parallel_loop3A_269 : i32
        %parallel_loop3A_271 = arith.cmpi ne, %parallel_loop3A_263, %parallel_loop3A_270 : i32
        %parallel_loop3A_272 = arith.remsi %parallel_loop3A_254, %parallel_loop3A_255 : i32
        %parallel_loop3A_273 = arith.constant 0 : i32
        %parallel_loop3A_274 = arith.cmpi ne, %parallel_loop3A_272, %parallel_loop3A_273 : i32
        %parallel_loop3A_275 = arith.andi %parallel_loop3A_271, %parallel_loop3A_274 : i1
        %parallel_loop3A_276 = arith.constant 1 : i32
        %parallel_loop3A_277 = arith.subi %parallel_loop3A_256, %parallel_loop3A_276 : i32
        %parallel_loop3A_278 = arith.select %parallel_loop3A_275, %parallel_loop3A_277, %parallel_loop3A_256 : i32
        %parallel_loop3A_279 = arith.constant 48 : i32
        %parallel_loop3A_280 = arith.constant 0 : i32
        %parallel_loop3A_281 = arith.cmpi eq, %parallel_loop3A_279, %parallel_loop3A_280 : i32
        %parallel_loop3A_282 = arith.constant 1 : i32
        %parallel_loop3A_283 = arith.select %parallel_loop3A_281, %parallel_loop3A_282, %parallel_loop3A_279 : i32
        %parallel_loop3A_284 = arith.remsi %parallel_loop3A_254, %parallel_loop3A_283 : i32
        %parallel_loop3A_285 = arith.constant 0 : i32
        %parallel_loop3A_286 = arith.cmpi ne, %parallel_loop3A_284, %parallel_loop3A_285 : i32
        %parallel_loop3A_287 = arith.constant 0 : i32
        %parallel_loop3A_288 = arith.cmpi slt, %parallel_loop3A_284, %parallel_loop3A_287 : i32
        %parallel_loop3A_289 = arith.constant 0 : i32
        %parallel_loop3A_290 = arith.cmpi slt, %parallel_loop3A_283, %parallel_loop3A_289 : i32
        %parallel_loop3A_291 = arith.xori %parallel_loop3A_288, %parallel_loop3A_290 : i1
        %parallel_loop3A_292 = arith.andi %parallel_loop3A_291, %parallel_loop3A_286 : i1
        %parallel_loop3A_293 = arith.addi %parallel_loop3A_284, %parallel_loop3A_283 : i32
        %parallel_loop3A_294 = arith.select %parallel_loop3A_292, %parallel_loop3A_293, %parallel_loop3A_284 : i32
        %parallel_loop3A_295 = arith.constant 16 : i32
        %parallel_loop3A_296 = arith.muli %parallel_loop3A_294, %parallel_loop3A_295 : i32
        %parallel_loop3A_297 = arith.index_cast %parallel_loop3A_278 : i32 to index
        %parallel_loop3A_298 = arith.index_cast %parallel_loop3A_296 : i32 to index
        %parallel_loop3A_299 = tpu.vector_load %arg7[%parallel_loop3A_297, %parallel_loop3A_298] {strides = array<i32>} : memref<16x768xf32, #tpu.memory_space<vmem>>, vector<1x16xf32>,
        %parallel_loop3A_300 = vector.shape_cast %parallel_loop3A_299 : vector<1x16xf32> to vector<16xf32>
        %parallel_loop3A_301 = arith.index_cast %parallel_loop3A_278 : i32 to index
        %parallel_loop3A_302 = arith.index_cast %parallel_loop3A_296 : i32 to index
        %parallel_loop3A_303 = tpu.vector_load %arg11[%parallel_loop3A_301, %parallel_loop3A_302] {strides = array<i32>} : memref<16x768xf32, #tpu.memory_space<vmem>>, vector<1x16xf32>,
        %parallel_loop3A_304 = vector.shape_cast %parallel_loop3A_303 : vector<1x16xf32> to vector<16xf32>
        %parallel_loop3A_305 = vector.shape_cast %parallel_loop3A_300 : vector<16xf32> to vector<1x16xf32>
        tpu.vector_store %arg11[%parallel_loop3A_301, %parallel_loop3A_302], %parallel_loop3A_305 {add = true, strides = array<i32>} : memref<16x768xf32, #tpu.memory_space<vmem>>, vector<1x16xf32>,
      } {sc.loop_unroll_factor = 8 : i64, sc.parallel_access}
      %mul3A_240 = arith.constant 16 : i32
      %mul3A_241 = arith.muli %add3A_205, %mul3A_240 : i32
      %add3A_242 = arith.addi %mul3A_2, %mul3A_241 : i32
      %dma_start3A_243 = arith.constant 0 : i32
      %dma_start3A_244 = tpu.memref_slice %arg4[%add3A_242, %dma_start3A_243] : memref<18432x768xf32, #tpu.memory_space<hbm>> -> memref<16x768xf32, #tpu.memory_space<hbm>>
      %dma_start3A_245 = arith.constant 0 : i32
      %dma_start3A_246 = tpu.memref_slice %arg4[%add3A_242, %dma_start3A_245] : memref<18432x768xf32, #tpu.memory_space<hbm>> -> memref<16x768xf32, #tpu.memory_space<hbm>>
      tpu.enqueue_dma source(%arg11 : memref<16x768xf32, #tpu.memory_space<vmem>>) target(%dma_start3A_246 : memref<16x768xf32, #tpu.memory_space<hbm>>) target_semaphore(%arg21 : memref<!tpu.dma_semaphore, #tpu.memory_space<semaphore_mem>>)
      %add3A_247 = arith.constant 2 : i32
      %add3A_248 = arith.addi %add3A_205, %add3A_247 : i32
      %lt3A_249 = arith.constant 36 : i32
      %lt3A_250 = arith.cmpi slt, %add3A_248, %lt3A_249 : i32
      %convert_element_type3A_251 = arith.extui %lt3A_250 : i1 to i32
      %cond3A_252 = arith.constant 0 : i32
      %cond3A_253 = arith.cmpi ne, %convert_element_type3A_251, %cond3A_252 : i32
      scf.if %cond3A_253 {
        %ge3A = arith.constant 2 : i32
        %ge3A_254 = arith.cmpi sge, %add3A_205, %ge3A : i32
        %convert_element_type3A_255 = arith.extui %ge3A_254 : i1 to i32
        %cond3A_256 = arith.constant 0 : i32
        %cond3A_257 = arith.cmpi ne, %convert_element_type3A_255, %cond3A_256 : i32
        scf.if %cond3A_257 {
          %sub3A = arith.constant 2 : i32
          %sub3A_291 = arith.subi %add3A_205, %sub3A : i32
          %mul3A_292 = arith.constant 16 : i32
          %mul3A_293 = arith.muli %sub3A_291, %mul3A_292 : i32
          %add3A_294 = arith.addi %mul3A_2, %mul3A_293 : i32
          %dma_wait3A_295 = arith.constant 0 : i32
          %dma_wait3A_296 = tpu.memref_slice %arg4[%add3A_294, %dma_wait3A_295] : memref<18432x768xf32, #tpu.memory_space<hbm>> -> memref<16x768xf32, #tpu.memory_space<hbm>>
          %dma_wait3A_297 = arith.constant 0 : i32
          %dma_wait3A_298 = tpu.memref_slice %arg4[%add3A_294, %dma_wait3A_297] : memref<18432x768xf32, #tpu.memory_space<hbm>> -> memref<16x768xf32, #tpu.memory_space<hbm>>
          tpu.wait_dma2 semaphore(%arg19 : memref<!tpu.dma_semaphore, #tpu.memory_space<semaphore_mem>>) src(%arg9 : memref<16x768xf32, #tpu.memory_space<vmem>>) dst(%dma_wait3A_298 : memref<16x768xf32, #tpu.memory_space<hbm>>)
        } else {
        }
        %add3A_258 = arith.constant 2 : i32
        %add3A_259 = arith.addi %add3A_205, %add3A_258 : i32
        %add3A_260 = arith.constant 18432 : i32
        %add3A_261 = arith.addi %add3A_260, %mul3A_2 : i32
        %mul3A_262 = arith.constant 16 : i32
        %mul3A_263 = arith.muli %add3A_259, %mul3A_262 : i32
        %add3A_264 = arith.addi %add3A_261, %mul3A_263 : i32
        %dma_start3A_265 = arith.constant 0 : i32
        %dma_start3A_266 = tpu.memref_slice %arg2[%add3A_264, %dma_start3A_265] : memref<36864x768xf32, #tpu.memory_space<hbm>> -> memref<16x768xf32, #tpu.memory_space<hbm>>
        %dma_start3A_267 = arith.constant 0 : i32
        %dma_start3A_268 = tpu.memref_slice %arg2[%add3A_264, %dma_start3A_267] : memref<36864x768xf32, #tpu.memory_space<hbm>> -> memref<16x768xf32, #tpu.memory_space<hbm>>
        tpu.enqueue_dma source(%dma_start3A_268 : memref<16x768xf32, #tpu.memory_space<hbm>>) target(%arg9 : memref<16x768xf32, #tpu.memory_space<vmem>>) target_semaphore(%arg15 : memref<!tpu.dma_semaphore, #tpu.memory_space<semaphore_mem>>)
        %jit3A_269 = arith.constant 36 : i32
        %eq3A_270 = arith.constant 0 : i32
        %eq3A_271 = arith.cmpi eq, %jit3A_269, %eq3A_270 : i32
        %jit3A_272 = arith.constant 1 : i32
        %select_n3A_273 = arith.select %eq3A_271, %jit3A_272, %jit3A_269 : i32
        %rem3A_274 = arith.remsi %add3A_259, %select_n3A_273 : i32
        %ne3A_275 = arith.constant 0 : i32
        %ne3A_276 = arith.cmpi ne, %rem3A_274, %ne3A_275 : i32
        %lt3A_277 = arith.constant 0 : i32
        %lt3A_278 = arith.cmpi slt, %rem3A_274, %lt3A_277 : i32
        %lt3A_279 = arith.constant 0 : i32
        %lt3A_280 = arith.cmpi slt, %select_n3A_273, %lt3A_279 : i32
        %ne3A_281 = arith.xori %lt3A_278, %lt3A_280 : i1
        %and3A_282 = arith.andi %ne3A_281, %ne3A_276 : i1
        %add3A_283 = arith.addi %rem3A_274, %select_n3A_273 : i32
        %select_n3A_284 = arith.select %and3A_282, %add3A_283, %rem3A_274 : i32
        %mul3A_285 = arith.constant 16 : i32
        %mul3A_286 = arith.muli %select_n3A_284, %mul3A_285 : i32
        %dma_start3A_287 = arith.constant 0 : i32
        %dma_start3A_288 = tpu.memref_slice %arg5[%mul3A_286, %dma_start3A_287] : memref<576x768xf32, #tpu.memory_space<vmem_shared>> -> memref<16x768xf32, #tpu.memory_space<vmem_shared>>
        %dma_start3A_289 = arith.constant 0 : i32
        %dma_start3A_290 = tpu.memref_slice %arg5[%mul3A_286, %dma_start3A_289] : memref<576x768xf32, #tpu.memory_space<vmem_shared>> -> memref<16x768xf32, #tpu.memory_space<vmem_shared>>
        tpu.enqueue_dma source(%dma_start3A_290 : memref<16x768xf32, #tpu.memory_space<vmem_shared>>) target(%arg7 : memref<16x768xf32, #tpu.memory_space<vmem>>) target_semaphore(%arg13 : memref<!tpu.dma_semaphore, #tpu.memory_space<semaphore_mem>>)
      } else {
      }
    }
    %scan3A_36 = arith.constant 9 : i32
    %add3A_37 = arith.constant 512 : i32
    %add3A_38 = arith.addi %mul3A_2, %add3A_37 : i32
    %dma_wait3A = arith.constant 0 : i32
    %dma_wait3A_39 = tpu.memref_slice %arg4[%add3A_38, %dma_wait3A] : memref<18432x768xf32, #tpu.memory_space<hbm>> -> memref<16x768xf32, #tpu.memory_space<hbm>>
    %dma_wait3A_40 = arith.constant 0 : i32
    %dma_wait3A_41 = tpu.memref_slice %arg4[%add3A_38, %dma_wait3A_40] : memref<18432x768xf32, #tpu.memory_space<hbm>> -> memref<16x768xf32, #tpu.memory_space<hbm>>
    tpu.wait_dma2 semaphore(%arg18 : memref<!tpu.dma_semaphore, #tpu.memory_space<semaphore_mem>>) src(%arg8 : memref<16x768xf32, #tpu.memory_space<vmem>>) dst(%dma_wait3A_41 : memref<16x768xf32, #tpu.memory_space<hbm>>)
    %add3A_42 = arith.constant 528 : i32
    %add3A_43 = arith.addi %mul3A_2, %add3A_42 : i32
    %dma_wait3A_44 = arith.constant 0 : i32
    %dma_wait3A_45 = tpu.memref_slice %arg4[%add3A_43, %dma_wait3A_44] : memref<18432x768xf32, #tpu.memory_space<hbm>> -> memref<16x768xf32, #tpu.memory_space<hbm>>
    %dma_wait3A_46 = arith.constant 0 : i32
    %dma_wait3A_47 = tpu.memref_slice %arg4[%add3A_43, %dma_wait3A_46] : memref<18432x768xf32, #tpu.memory_space<hbm>> -> memref<16x768xf32, #tpu.memory_space<hbm>>
    tpu.wait_dma2 semaphore(%arg19 : memref<!tpu.dma_semaphore, #tpu.memory_space<semaphore_mem>>) src(%arg9 : memref<16x768xf32, #tpu.memory_space<vmem>>) dst(%dma_wait3A_47 : memref<16x768xf32, #tpu.memory_space<hbm>>)
    %add3A_48 = arith.constant 544 : i32
    %add3A_49 = arith.addi %mul3A_2, %add3A_48 : i32
    %dma_wait3A_50 = arith.constant 0 : i32
    %dma_wait3A_51 = tpu.memref_slice %arg4[%add3A_49, %dma_wait3A_50] : memref<18432x768xf32, #tpu.memory_space<hbm>> -> memref<16x768xf32, #tpu.memory_space<hbm>>
    %dma_wait3A_52 = arith.constant 0 : i32
    %dma_wait3A_53 = tpu.memref_slice %arg4[%add3A_49, %dma_wait3A_52] : memref<18432x768xf32, #tpu.memory_space<hbm>> -> memref<16x768xf32, #tpu.memory_space<hbm>>
    tpu.wait_dma2 semaphore(%arg20 : memref<!tpu.dma_semaphore, #tpu.memory_space<semaphore_mem>>) src(%arg10 : memref<16x768xf32, #tpu.memory_space<vmem>>) dst(%dma_wait3A_53 : memref<16x768xf32, #tpu.memory_space<hbm>>)
    %add3A_54 = arith.constant 560 : i32
    %add3A_55 = arith.addi %mul3A_2, %add3A_54 : i32
    %dma_wait3A_56 = arith.constant 0 : i32
    %dma_wait3A_57 = tpu.memref_slice %arg4[%add3A_55, %dma_wait3A_56] : memref<18432x768xf32, #tpu.memory_space<hbm>> -> memref<16x768xf32, #tpu.memory_space<hbm>>
    %dma_wait3A_58 = arith.constant 0 : i32
    %dma_wait3A_59 = tpu.memref_slice %arg4[%add3A_55, %dma_wait3A_58] : memref<18432x768xf32, #tpu.memory_space<hbm>> -> memref<16x768xf32, #tpu.memory_space<hbm>>
    tpu.wait_dma2 semaphore(%arg21 : memref<!tpu.dma_semaphore, #tpu.memory_space<semaphore_mem>>) src(%arg11 : memref<16x768xf32, #tpu.memory_space<vmem>>) dst(%dma_wait3A_59 : memref<16x768xf32, #tpu.memory_space<hbm>>)
    return
  }
}

module attributes {stable_mosaic.version = 14 : i64} {
  func.func @_tc_body(%arg0: i32, %arg1: memref<1x576x768xf32, #tpu.memory_space<vmem>>, %arg2: memref<576x768xf32, #tpu.memory_space<vmem>>, %arg3: memref<1x576x768xf32, #tpu.memory_space<vmem>>) attributes {dimension_semantics = [#tpu.dimension_semantics<arbitrary>], iteration_bounds = array<i64: 32>, scalar_prefetch = 0 : i64, scratch_operands = 0 : i64, tpu.core_type = #tpu.core_type<tc>, window_params = [{transform_indices = @transform_0, window_bounds = array<i64: 1, 576, 768>}, {pipeline_mode = #tpu.pipeline_mode<synchronous>, transform_indices = @transform_1, window_bounds = array<i64: 576, 768>}, {transform_indices = @transform_2, window_bounds = array<i64: 1, 576, 768>}]} {
    %get3A = arith.constant 0 : index
    %get3A_0 = arith.constant 0 : index
    %get3A_1 = arith.constant 0 : index
    %get3A_2 = vector.load %arg1[%get3A, %get3A_0, %get3A_1] : memref<1x576x768xf32, #tpu.memory_space<vmem>>, vector<1x576x768xf32>
    %get3A_3 = arith.constant 0 : index
    %get3A_4 = arith.constant 0 : index
    %get3A_5 = vector.load %arg2[%get3A_3, %get3A_4] : memref<576x768xf32, #tpu.memory_space<vmem>>, vector<576x768xf32>
    %broadcast_in_dim3A = vector.shape_cast %get3A_5 : vector<576x768xf32> to vector<1x576x768xf32>
    %add3A = arith.addf %get3A_2, %broadcast_in_dim3A : vector<1x576x768xf32>
    %swap3A = arith.constant 0 : index
    %swap3A_6 = arith.constant 0 : index
    %swap3A_7 = arith.constant 0 : index
    %swap3A_8 = vector.load %arg3[%swap3A, %swap3A_6, %swap3A_7] : memref<1x576x768xf32, #tpu.memory_space<vmem>>, vector<1x576x768xf32>
    tpu.vector_store %arg3[%swap3A, %swap3A_6, %swap3A_7], %add3A {strides = array<i32>} : memref<1x576x768xf32, #tpu.memory_space<vmem>>, vector<1x576x768xf32>,
    return
  }
  func.func @transform_0(%arg0: i32) -> (i32, i32, i32) {
    %c0_i32 = arith.constant 0 : i32
    %c0_i32_0 = arith.constant 0 : i32
    %c0_i32_1 = arith.constant 0 : i32
    return %arg0, %c0_i32, %c0_i32_0 : i32, i32, i32
  }
  func.func @transform_1(%arg0: i32) -> (i32, i32) {
    %c0_i32 = arith.constant 0 : i32
    %c0_i32_0 = arith.constant 0 : i32
    %c0_i32_1 = arith.constant 0 : i32
    return %c0_i32, %c0_i32_0 : i32, i32
  }
  func.func @transform_2(%arg0: i32) -> (i32, i32, i32) {
    %c0_i32 = arith.constant 0 : i32
    %c0_i32_0 = arith.constant 0 : i32
    %c0_i32_1 = arith.constant 0 : i32
    return %arg0, %c0_i32, %c0_i32_0 : i32, i32, i32
  }
}

</mosaic_0001>

<sc_bundles>
// kernel: kernel.4.cloned.1.call-start
scs
__scs_entry_jumppad:
0x0: {  	(pc) =	sbr.rel $0x88, $3  }
0x1: {  	(tag) =	ssettag $0x0;
	lr =	simm.s32 $0x1  }
0x2: {  	[smem:$0x3F9F] =	sst lr;
	_ =	strace $0xD0000000  }
0x3: {  	_ = 	snop  }
0x4: {  	_ = 	snop  }
0x5: {  	_ = 	snop  }
0x6: {  	_ = 	snop  }
0x7: {  	_ = 	snop  }
__scs_overlays_trampoline_lowered:
0x8: {  	[smem:$0x3FAE] =	sst s0  }
0x9: {  	[smem:$0x3FAF] =	sst s1  }
0xa: {  	[smem:$0x3FB0] =	sst s2  }
0xb: {  	[smem:$0x3FB1] =	sst s3  }
0xc: {  	[smem:$0x3FB2] =	sst s4  }
0xd: {  	[smem:$0x3FB3] =	sst s5  }
0xe: {  	[smem:$0x3FB4] =	sst s6  }
0xf: {  	[smem:$0x3FB5] =	sst s7  }
0x10: {  	[smem:$0x3FB6] =	sst s8  }
0x11: {  	[smem:$0x3FB7] =	sst s9;
	s0 =	simm.s32 @!p0 $0x0  }
0x12: {  	s1 =	sld [smem:$0x3F9D];
	s0 =	simm.s32 @p0 $0x1  }
0x13: {  	[smem:$0x3FB8] =	sst s0;
	s0 =	simm.s32 @!p1 $0x0  }
0x14: {  	s2 =	sld [smem:$0x3F9C];
	s0 =	simm.s32 @p1 $0x1  }
0x15: {  	[smem:$0x3FB9] =	sst s0;
	s0 =	simm.s32 @!p2 $0x0  }
0x16: {  	s3 =	sld [smem:$0x3FDB];
	s0 =	simm.s32 @p2 $0x1  }
0x17: {  	s4 =	simm.s32 $0x1BF5;
	[smem:$0x3FBB] =	sst s0  }
0x18: {  	s0 =	sld [smem:$0x3F9E];
	_ =	swait.ge [sflag:s4], $0x0  }
0x19: {  	s7 =	sld [smem:$0x3F9F]  }
0x1a: {  	s8 =	sadd.s32 $0xFFFFE003, lr  }
0x1b: {  	s9 =	sadd.s32 $0xFFFFFEF7, lr;
	s5 =	simm.s32 $0xFFFFFFFF;
	p2 =	slt.u32 s8, $0xFFFFF086  }
0x1c: {  	p1 =	slt.u32 s9, $0xF7A;
	s5 =	simm.s32 @!p2 $0x0  }
0x1d: {  	s5 =	simm.s32 @p1 $0x1;
	p0 =	seq.s32 s7, s2  }
0x1e: {  	s7 =	smul.u32 @!p0 $0xF7A, s2;
	p2 =	seq.s32 @!p0 s5, $0x0  }
0x1f: {  	s9 =	smul.u32 $0xF7A, s1;
	s8 =	simm.s32 @!p0 $0x1BF5;
	p2 =	por !p2, p0  }
0x20: {  	[sflag:s8] =	ssyncset.s32 @!p0 $0xFFFFF086;
	s6 =	sadd.s32 @!p0 s3, s7;
	s7 =	simm.s32 @!p0 $0x108  }
0x21: {  	s3 =	sadd.s32 s3, s9;
	s6 =	sadd.s32 @!p0 $0x88, s6;
	s7 =	simm.s32 @p2 $0x1082  }
0x22: {  	[simem:s7], [sflag:s8] =	dma.local @!p0 [hbm:s6], $0xF7A  }
0x23: {  	s9 =	sor.u32 $0xD0000000, s2;
	s6 =	simm.s32 $0x108;
	_ =	swait.ge @!p0 [sflag:s8], $0x0  }
0x24: {  	s3 =	sadd.s32 $0x88, s3;
	s6 =	simm.s32 @!p1 $0x1082;
	[sflag:s4] =	ssyncset.s32 $0xFFFFF086  }
0x25: {  	[simem:s6], [sflag:s4] =	dma.local [hbm:s3], $0xF7A  }
0x26: {  	[smem:$0x3F9F] =	sst s1;
	(tag) =	ssettag s2;
	_ =	strace s9  }
0x27: {  	s1 =	sld [smem:$0x3FAF]  }
0x28: {  	s2 =	sld [smem:$0x3FB0]  }
0x29: {  	s4 =	sld [smem:$0x3FB2]  }
0x2a: {  	p0 =	seq.s32 s5, $0x0;
	s5 =	sld [smem:$0x3FB3]  }
0x2b: {  	s6 =	sld [smem:$0x3FB4]  }
0x2c: {  	s7 =	sld [smem:$0x3FB5]  }
0x2d: {  	s3 =	simm.s32 $0x108;
	s8 =	sld [smem:$0x3FB6]  }
0x2e: {  	s3 =	simm.s32 @!p0 $0x1082;
	s9 =	sld [smem:$0x3FB7]  }
0x2f: {  	lr =	sadd.s32 s0, s3;
	s0 =	sld [smem:$0x3FAE]  }
0x30: {  	s3 =	sld [smem:$0x3FB1]  }
0x31: {  	[smem:$0x3FBA] =	sst s10  }
0x32: {  	s10 =	sld [smem:$0x3FB8];
	_ =	sdelay $0x3  }
0x33: {  	p0 =	seq.s32 s10, $0x1;
	s10 =	sld [smem:$0x3FBA];
	_ =	sdelay $0x3  }
0x34: {  	[smem:$0x3FBA] =	sst s10  }
0x35: {  	s10 =	sld [smem:$0x3FB9];
	_ =	sdelay $0x3  }
0x36: {  	p1 =	seq.s32 s10, $0x1;
	s10 =	sld [smem:$0x3FBA];
	_ =	sdelay $0x3  }
0x37: {  	[smem:$0x3FBA] =	sst s10  }
0x38: {  	s10 =	sld [smem:$0x3FBB]  }
0x39: {  	_ = 	snop;
	(pc) =	sbr.ind lr, $3  }
0x3a: {  	_ = 	snop  }
0x3b: {  	_ = 	snop  }
0x3c: {  	p2 =	seq.s32 s10, $0x1;
	s10 =	sld [smem:$0x3FBA]  }
0x3d: {  	_ =	shalt  }
0x3e: {  	_ =	shalt  }
0x3f: {  	_ =	shalt  }
0x40: {  	_ =	shalt  }
0x41: {  	_ =	shalt  }
0x42: {  	_ =	shalt  }
0x43: {  	_ =	shalt  }
0x44: {  	_ =	shalt  }
0x45: {  	_ =	shalt  }
0x46: {  	_ =	shalt  }
0x47: {  	_ =	shalt  }
0x48: {  	_ =	shalt  }
0x49: {  	_ =	shalt  }
0x4a: {  	_ =	shalt  }
0x4b: {  	_ =	shalt  }
0x4c: {  	_ =	shalt  }
0x4d: {  	_ =	shalt  }
0x4e: {  	_ =	shalt  }
0x4f: {  	_ =	shalt  }
0x50: {  	_ =	shalt  }
0x51: {  	_ =	shalt  }
0x52: {  	_ =	shalt  }
0x53: {  	_ =	shalt  }
0x54: {  	_ =	shalt  }
0x55: {  	_ =	shalt  }
0x56: {  	_ =	shalt  }
0x57: {  	_ =	shalt  }
0x58: {  	_ =	shalt  }
0x59: {  	_ =	shalt  }
0x5a: {  	_ =	shalt  }
0x5b: {  	_ =	shalt  }
0x5c: {  	_ =	shalt  }
0x5d: {  	_ =	shalt  }
0x5e: {  	_ =	shalt  }
0x5f: {  	_ =	shalt  }
0x60: {  	_ =	shalt  }
0x61: {  	_ =	shalt  }
0x62: {  	_ =	shalt  }
0x63: {  	_ =	shalt  }
0x64: {  	_ =	shalt  }
0x65: {  	_ =	shalt  }
0x66: {  	_ =	shalt  }
0x67: {  	_ =	shalt  }
0x68: {  	_ =	shalt  }
0x69: {  	_ =	shalt  }
0x6a: {  	_ =	shalt  }
0x6b: {  	_ =	shalt  }
0x6c: {  	_ =	shalt  }
0x6d: {  	_ =	shalt  }
0x6e: {  	_ =	shalt  }
0x6f: {  	_ =	shalt  }
0x70: {  	_ =	shalt  }
0x71: {  	_ =	shalt  }
0x72: {  	_ =	shalt  }
0x73: {  	_ =	shalt  }
0x74: {  	_ =	shalt  }
0x75: {  	_ =	shalt  }
0x76: {  	_ =	shalt  }
0x77: {  	_ =	shalt  }
0x78: {  	_ =	shalt  }
0x79: {  	_ =	shalt  }
0x7a: {  	_ =	shalt  }
0x7b: {  	_ =	shalt  }
0x7c: {  	_ =	shalt  }
0x7d: {  	_ =	shalt  }
0x7e: {  	_ =	shalt  }
0x7f: {  	_ =	shalt  }
0x80: {  	_ =	shalt  }
0x81: {  	_ =	shalt  }
0x82: {  	_ =	shalt  }
0x83: {  	_ =	shalt  }
0x84: {  	_ =	shalt  }
0x85: {  	_ =	shalt  }
0x86: {  	_ =	shalt  }
0x87: {  	_ =	shalt  }
.Lfunc_end0:
.L_simem_size_0:
called_computation_lowered:
.L_overlay_start_0:
0x88: {  	s2 =	sld [smem:$0x3FD9]  }
0x89: {  	s3 =	sld [smem:$0x3FFE];
	_ =	sdelay $0x1  }
0x8a: {  	s1 =	srdreg.scid  }
0x8b: {  	s0 =	sand.u32 $0x1, s1  }
0x8c: {  	s17 =	sshll.u32 s0, $0xA;
	s2 =	sadd.s32 s3, s2  }
0x8d: {  	s2 =	sadd.s32 s2, s17  }
0x8e: {  	[smem:$0x3FC6] =	sst s2  }
0x8f: {  	_ = 	snop  }
0x90: {  	s2 =	sld [smem:$0x3FC9]  }
0x91: {  	s18 =	sld [smem:$0x3FC8];
	(tm) =	ssettm $0x1  }
0x92: {  	s4 =	sld [smem:$0x3FFB];
	_ =	sdelay $0x3  }
0x93: {  	_ =	strace s4  }
0x94: {  	s4 =	sld [smem:$0x3FFC];
	_ =	sdelay $0x3  }
0x95: {  	_ =	strace s4  }
0x96: {  	s4 =	sld [smem:$0x3FFD];
	_ =	sdelay $0x3  }
0x97: {  	_ =	strace s4  }
0x98: {  	_ =	strace $0x8FFFFFFF  }
0x99: {  	s19 =	sld [smem:$0x3FDB];
	_ =	sdelay $0x1  }
0x9a: {  	s5 =	simm.s32 $_scs_section_size  }
0x9b: {  	s6 =	simm.s32 $_size__tile_overlayer_lowered;
	s7 =	simm.s32 $_tile_overlayer_lowered  }
0x9c: {  	s22 =	simm.s32 $0x1BFF;
	s21 =	sshll.u32 s7, $0x1;
	s4 =	sadd.s32 s5, s19  }
0x9d: {  	s8 =	simm.s32 $0x0;
	s20 =	sshll.u32 s6, $0x1;
	s6 =	sadd.s32 s21, s4  }
0x9e: {  	[timem:s8], [sflag:s22] =	dma.local [hbm:s6], s20  }
0x9f: {  	_ =	swait.ge [sflag:s22], s20  }
0xa0: {  	s5 =	ssub.s32 $0x0, s20;
	[sflag:s22] =	ssyncset.done $0x0  }
0xa1: {  	[sflag:s22] =	ssyncadd.s32 s5;
	_ =	sdelay $0x1  }
0xa2: {  	s23 =	simm.s32 $0x1B8B  }
0xa3: {  	_ =	swait.ge [sflag:s23], $0x1  }
0xa4: {  	[sflag:s23] =	ssyncset.done $0x0  }
0xa5: {  	s25 =	simm.s32 $0x1B8E;
	s24 =	sld [smem:$0x3FFE];
	[sflag:s23] =	ssyncadd.s32 $0xFFFFFFFF  }
0xa6: {  	s26 =	simm.s32 $execute0_lowered;
	[smem:$0x3FD2] =	sst s25  }
0xa7: {  	s6 =	sshll.u32 s26, $0x1;
	_ =	strace $0x80000046;
	[dreg:$0x1] =	wrdreg $0xFFFFFFFF  }
0xa8: {  	s28 =	simm.s32 $_size_execute0_lowered;
	s4 =	sadd.s32 s4, s6;
	[dreg:$0x0] =	wrdreg $0x0  }
0xa9: {  	s6 =	sshll.u32 s28, $0x1;
	[dreg:$0x2] =	wrdreg s4  }
0xaa: {  	[dreg:$0x3] =	wrdreg s6  }
0xab: {  	[dreg:$0x4] =	wrdreg $0xC0  }
0xac: {  	_ =	task [dreg:s8], $0x5FFFF  }
0xad: {  	[dreg:$0x1] =	wrdreg $0xFFFFFFFF  }
0xae: {  	[dreg:$0x0] =	wrdreg $0x60  }
0xaf: {  	[dreg:$0x2] =	wrdreg s2  }
0xb0: {  	[dreg:$0x3] =	wrdreg s18  }
0xb1: {  	[dreg:$0x4] =	wrdreg s24  }
0xb2: {  	[dreg:$0x5] =	wrdreg $0x0  }
0xb3: {  	[dreg:$0x6] =	wrdreg $0x9  }
0xb4: {  	_ =	task.clear_ibuf [dreg:s8], $0x7FFFF;
	_ =	strace $0x90000046  }
0xb5: {  	s29 =	simm.s32 $0x9;
	_ =	strace $0x80000048  }
0xb6: {  	_ =	swait.ge [sflag:s29], $0x1  }
0xb7: {  	[sflag:s29] =	ssyncadd.s32 $0xFFFFFFFF  }
0xb8: {  	_ =	strace $0x90000048  }
0xb9: {  	_ =	sfence  }
0xba: {  	s30 =	sld [smem:$0x0];
	_ =	sdelay $0x2  }
0xbb: {  	s31 =	sshll.u32 s1, $0xD;
	s1 =	sshrl.u32 s1, $0x2  }
0xbc: {  	s3 =	sand.u32 $0x4000, s31;
	s1 =	sadd.s32 s1, s30  }
0xbd: {  	s0 =	sor.u32 s3, s0;
	s1 =	sshll.u32 s1, $0x11  }
0xbe: {  	s0 =	sor.u32 s1, s0  }
0xbf: {  	s0 =	sadd.s32 $0x8F2B, s0  }
0xc0: {  	[sflag:s0] =	ssyncadd.remote.s32 $0x1  }
0xc1: {  	_ =	sfence.sel $0xFFFF  }
0xc2: {  	[dreg:$0x0] =	wrdreg $0xFFFFFFFF;
	(pc) =	sbr.abs _section_cstart, $3  }
0xc3: {  	[dreg:$0x1] =	wrdreg $0xFFFFFFFF  }
0xc4: {  	_ =	task.clear_ibuf [dreg:s8], $0x2FFFF;
	_ =	strace $0x9FFFFFFF  }
0xc5: {  	(tm) =	ssettm $0x7FFFFFFF  }
tec
execute0_lowered:
.L_overlay_start_1:
0x0: {  	(tag) =	ssettag $0x1  }
0x1: {  	s0 =	rddreg [dreg:$0x0]  }
0x2: {  	s1 =	srdreg.scid;
	s2 =	stileid.u32  }
0x3: {  	s7 =	rddreg [dreg:$0x2];
	s1 =	sand.u32 $0x1, s1;
	s3 =	sshll.u32 s2, $0x1  }
0x4: {  	s5 =	simm.s32 $0x0;
	s22 =	simm.s32 $0x2;
	s4 =	sor.u32 s1, s3  }
0x5: {  	[smem:$0x7FF] =	sst s5;
	s1 =	ssub.s32 $0x2, s1;
	s4 =	smul.u32 $0x240, s4  }
0x6: {  	s3 =	rddreg [dreg:$0x3];
	_ =	strace $0x80000047;
	s10 =	sshrl.u32 s1, $0x1  }
0x7: {  	s29 =	sadd.s32 $0x3000, s3;
	s6 =	sadd.s32 $0x4800, s4;
	s8 =	sshrl.u32 s4, $0x3  }
0x8: {  	s1 =	ssub.s32 s1, s10;
	s9 =	sshrl.u32 s6, $0x3;
	s8 =	smul.u32 $0x300, s8  }
0x9: {  	[dreg:$0x7] =	wrdreg s29;
	s30 =	sor.u32 $0x10, s4;
	s9 =	smul.u32 $0x300, s9  }
.Ltmp0:
0xa: {  	s31 =	smax.u32 s1, $0x1;
	[dreg:$0x8] =	wrdreg s30;
	(pc) =	sbr.rel .LBB2_1-.Ltmp0, $4  }
0xb: {  	[dreg:$0x9] =	wrdreg s31;
	s8 =	sadd.s32 s0, s8;
	s0 =	sadd.s32 s0, s9  }
0xc: {  	p0 =	sne.s32 s2, $0x0;
	s28 =	sadd.s32 $0x1B0600, s8;
	[dreg:$0x5] =	wrdreg s0  }
0xd: {  	s7 =	sadd.s32 $0x600, s7;
	[dreg:$0x6] =	wrdreg s28;
	s0 =	sshrl.u32 @!p0 s3, $0x3  }
0xe: {  	s2 =	simm.s32 $0x0;
	s19 =	smov.u32 s4;
	[dreg:$0xa] =	wrdreg s0  }
.LBB2_12:
0xf: {  	s0 =	simm.s32 $0x7  }
0x10: {  	_ =	swait.ge [sflag:s0], $0x3000  }
0x11: {  	[sflag:s0] =	ssyncset.done $0x0  }
0x12: {  	s29 =	simm.s32 $0x8;
	[sflag:s0] =	ssyncadd.s32 $0xFFFFD000  }
0x13: {  	_ =	swait.ge [sflag:s29], $0x3000  }
0x14: {  	[sflag:s29] =	ssyncset.done $0x0  }
0x15: {  	s30 =	simm.s32 $0x9;
	[sflag:s29] =	ssyncadd.s32 $0xFFFFD000  }
0x16: {  	_ =	swait.ge [sflag:s30], $0x3000  }
0x17: {  	[sflag:s30] =	ssyncset.done $0x0  }
0x18: {  	s1 =	simm.s32 $0xA;
	[sflag:s30] =	ssyncadd.s32 $0xFFFFD000  }
0x19: {  	_ =	swait.ge [sflag:s1], $0x3000  }
0x1a: {  	s2 =	rddreg [dreg:$0xb]  }
0x1b: {  	s31 =	rddreg [dreg:$0x9];
	s2 =	sadd.s32 $0x1, s2  }
0x1c: {  	p1 =	sne.s32 s2, s31  }
.Ltmp1:
0x1d: {  	_ = 	snop;
	(pc) =	sbr.rel @!p1 .LBB2_13-.Ltmp1, $3  }
0x1e: {  	_ =	sdelay $0x1  }
0x1f: {  	[sflag:s1] =	ssyncset.done $0x0  }
0x20: {  	[sflag:s1] =	ssyncadd.s32 $0xFFFFD000  }
.LBB2_1:
0x21: {  	[dreg:$0xb] =	wrdreg s2  }
0x22: {  	s0 =	rddreg [dreg:$0x1]  }
0x23: {  	s1 =	simm.s32 @!p0 $0x1C0B;
	s2 =	rddreg [dreg:$0xa]  }
0x24: {  	[spmem:s2], [sflag:s1] =	dma.local @!p0 [hbm:s0], $0xD800  }
0x25: {  	s1 =	simm.s32 @!p0 $0xB  }
0x26: {  	_ =	swait.ge @!p0 [sflag:s1], $0xD800  }
0x27: {  	[sflag:s1] =	ssyncset.done @!p0 $0x0  }
0x28: {  	[sflag:s1] =	ssyncadd.s32 @!p0 $0xFFFF2800  }
0x29: {  	[bflag:$0x0] =	sbarrier.arrive $0xFFFF  }
0x2a: {  	s24 =	simm.s32 $0xCC00;
	s23 =	rddreg [dreg:$0x5]  }
0x2b: {  	[tilespmem:s24], [sflag:$0x3] =	stream.linear.gather [hbm4b:s23+s5], $0x3000, $0x38;
	[tilespmem:$0x18C00] =	vst v63  }
0x2c: {  	s26 =	simm.s32 $0x6C00;
	s25 =	rddreg [dreg:$0x3]  }
0x2d: {  	[tilespmem:s26], [sflag:$0x1] =	stream.linear.gather [spmem:s25], $0x3000, $0x38;
	[tilespmem:$0x18C00] =	vst v63  }
0x2e: {  	s29 =	simm.s32 $0xFC00;
	s28 =	rddreg [dreg:$0x6]  }
0x2f: {  	[tilespmem:s29], [sflag:$0x4] =	stream.linear.gather [hbm4b:s28+s5], $0x3000, $0x38;
	[tilespmem:$0x18C00] =	vst v63  }
0x30: {  	s31 =	simm.s32 $0x9C00;
	s2 =	simm.s32 $0x0;
	s30 =	rddreg [dreg:$0x7]  }
0x31: {  	[tilespmem:s31], [sflag:$0x2] =	stream.linear.gather [spmem:s30], $0x3000, $0x38;
	[tilespmem:$0x18C00] =	vst v63  }
.LBB2_2:
0x32: {  	s0 =	simm.s32 $0x3;
	s26 =	simm.s32 $0x1;
	s1 =	simm.s32 $0x0  }
0x33: {  	_ =	swait.ge [sflag:s0], $0x3000;
	s9 =	sor.u32 $0x1, s1;
	s13 =	sor.u32 $0x6, s1  }
0x34: {  	s14 =	smul.u32 $0xAAAB, s1;
	s16 =	sor.u32 $0x7, s1;
	s15 =	sand.u32 $0xFFFF, s13  }
0x35: {  	s10 =	sor.u32 $0x2, s1;
	s23 =	sand.u32 $0xFFFF, s16;
	s15 =	smul.u32 $0xAAAB, s15  }
0x36: {  	s12 =	sor.u32 $0x5, s1;
	s31 =	sand.u32 $0xFFFF, s10;
	s23 =	smul.u32 $0xAAAB, s23  }
0x37: {  	s11 =	sor.u32 $0x4, s1;
	s29 =	sand.u32 $0xFFFF, s12;
	s31 =	smul.u32 $0xAAAB, s31  }
0x38: {  	s8 =	sor.u32 $0x3, s1;
	s18 =	sand.u32 $0xFFFF, s11;
	s29 =	smul.u32 $0xAAAB, s29  }
0x39: {  	[sflag:s0] =	ssyncset.done $0x0;
	s17 =	sand.u32 $0xFFFF, s9;
	s18 =	smul.u32 $0xAAAB, s18  }
0x3a: {  	[sflag:s0] =	ssyncadd.s32 $0xFFFFD000;
	s20 =	sshrl.u32 s14, $0x15;
	s17 =	smul.u32 $0xAAAB, s17  }
0x3b: {  	s30 =	sshrl.u32 s14, $0x18;
	_ =	swait.ge [sflag:s26], $0x3000;
	s20 =	smul.u32 $0x30, s20  }
0x3c: {  	s14 =	sshrl.u32 s14, $0xE;
	s3 =	smul.u32 $0x1800, s30;
	[sflag:s26] =	ssyncset.done $0x0  }
0x3d: {  	s28 =	sshrl.u32 s15, $0x11;
	[sflag:s26] =	ssyncadd.s32 $0xFFFFD000;
	s26 =	sand.u32 $0xFFFF, s8  }
0x3e: {  	s31 =	sshrl.u32 s31, $0x11;
	s29 =	sshrl.u32 s29, $0x11;
	s26 =	smul.u32 $0xAAAB, s26  }
0x3f: {  	s4 =	sshrl.u32 s23, $0x11;
	s18 =	sshrl.u32 s18, $0x11;
	s17 =	sshrl.u32 s17, $0x11  }
0x40: {  	s20 =	ssub.s32 $0x0, s20;
	s15 =	sand.u32 $0x30, s31;
	s26 =	sshrl.u32 s26, $0x11  }
0x41: {  	s29 =	sand.u32 $0x30, s29;
	s17 =	sand.u32 $0x30, s17;
	s26 =	sand.u32 $0x30, s26  }
0x42: {  	s18 =	sand.u32 $0x30, s18;
	s23 =	sand.u32 $0x30, s4;
	s8 =	sadd.s32 s26, s8  }
0x43: {  	s26 =	sshll.u32 s8, $0x7;
	s8 =	sand.u32 $0x380, s14;
	s14 =	sand.u32 $0x30, s28  }
0x44: {  	s20 =	sshll.u32 s20, $0x7;
	s10 =	sadd.s32 s15, s10;
	s13 =	sadd.s32 s14, s13  }
0x45: {  	s12 =	sadd.s32 s29, s12;
	s9 =	sadd.s32 s17, s9;
	s13 =	sshll.u32 s13, $0x7  }
0x46: {  	s11 =	sadd.s32 s18, s11;
	s25 =	sadd.s32 s23, s16;
	s13 =	sand.u32 $0x1C00, s13  }
0x47: {  	s20 =	sand.u32 $0xFF80, s20;
	s10 =	sshll.u32 s10, $0x7;
	s13 =	sadd.s32 s13, s3  }
0x48: {  	s9 =	sshll.u32 s9, $0x7;
	s11 =	sshll.u32 s11, $0x7;
	s21 =	sor.u32 s8, s13  }
0x49: {  	s12 =	sshll.u32 s12, $0x7;
	s10 =	sand.u32 $0x1C00, s10;
	s9 =	sand.u32 $0x1C00, s9;
	v0 =	vld [tilespmem:s21+$0x6C60]  }
0x4a: {  	s24 =	sand.u32 $0x1C00, s11;
	s10 =	sadd.s32 s10, s3;
	s0 =	sand.u32 $0x1C00, s26  }
0x4b: {  	s11 =	sshll.u32 s25, $0x7;
	s10 =	sor.u32 s8, s10;
	s28 =	sadd.s32 s0, s3  }
0x4c: {  	s31 =	sadd.s32 s20, s3;
	s11 =	sand.u32 $0x1C00, s11;
	v2 =	vld [tilespmem:s10+$0x6C20];
	s30 =	sor.u32 s8, s28  }
0x4d: {  	s12 =	sand.u32 $0x1C00, s12;
	s9 =	sadd.s32 s9, s3;
	s11 =	sadd.s32 s11, s3;
	v1 =	vld [tilespmem:s30+$0x6C30]  }
0x4e: {  	s12 =	sadd.s32 s12, s3;
	s15 =	sor.u32 s8, s31;
	s13 =	sor.u32 s8, s11;
	[tilespmem:s21+$0xCC60] =	vst.add.f32.msk $0xffff, v0  }
0x4f: {  	s29 =	sor.u32 s8, s12;
	s11 =	sor.u32 s8, s9;
	s9 =	sadd.s32 s24, s3;
	v0 =	vld [tilespmem:s13+$0x6C70]  }
.LBB2_3:
0x50: {  	s1 =	sadd.s32 $0x8, s1;
	v3 =	vld [tilespmem:s11+$0x6C10];
	s8 =	sor.u32 s8, s9  }
0x51: {  	s9 =	sor.u32 $0x1, s1;
	s16 =	sor.u32 $0x2, s1;
	s17 =	sor.u32 $0x3, s1;
	v4 =	vld [tilespmem:s15+$0x6C00]  }
0x52: {  	s12 =	sor.u32 $0x4, s1;
	s26 =	sor.u32 $0x5, s1;
	s14 =	sor.u32 $0x6, s1;
	[tilespmem:s10+$0xCC20] =	vst.add.f32.msk $0xffff, v2  }
0x53: {  	s18 =	smul.u32 $0xAAAB, s1;
	s20 =	sand.u32 $0xFFFF, s14;
	s10 =	sor.u32 $0x7, s1;
	v2 =	vld [tilespmem:s8+$0x6C40]  }
0x54: {  	s23 =	sand.u32 $0xFFFF, s9;
	s31 =	sand.u32 $0xFFFF, s17;
	s21 =	sand.u32 $0xFFFF, s26;
	v5 =	vld [tilespmem:s29+$0x6C50]  }
0x55: {  	s25 =	sand.u32 $0xFFFF, s16;
	s24 =	sshrl.u32 s18, $0x18;
	s31 =	smul.u32 $0xAAAB, s31;
	[tilespmem:s30+$0xCC30] =	vst.add.f32.msk $0xffff, v1  }
0x56: {  	s20 =	smul.u32 $0xAAAB, s20;
	s28 =	sand.u32 $0xFFFF, s10;
	s30 =	sshrl.u32 s18, $0x15;
	[tilespmem:s15+$0xCC00] =	vst.add.f32.msk $0xffff, v4  }
0x57: {  	s28 =	smul.u32 $0xAAAB, s28;
	s15 =	sshrl.u32 s31, $0x11;
	s31 =	sand.u32 $0xFFFF, s12;
	[tilespmem:s11+$0xCC10] =	vst.add.f32.msk $0xffff, v3  }
0x58: {  	s18 =	sshrl.u32 s18, $0xE;
	s11 =	smul.u32 $0x30, s30;
	s15 =	sand.u32 $0x30, s15;
	[tilespmem:s13+$0xCC70] =	vst.add.f32.msk $0xffff, v0  }
0x59: {  	p1 =	slt.u32 s1, $0x2F8;
	s13 =	smul.u32 $0xAAAB, s25;
	s15 =	sadd.s32 s15, s17;
	[tilespmem:s29+$0xCC50] =	vst.add.f32.msk $0xffff, v5  }
0x5a: {  	s17 =	smul.u32 $0xAAAB, s21;
	s11 =	ssub.s32 s1, s11;
	s15 =	sshll.u32 s15, $0x7;
	[tilespmem:s8+$0xCC40] =	vst.add.f32.msk $0xffff, v2  }
0x5b: {  	s11 =	sshll.u32 s11, $0x7;
	s8 =	sand.u32 $0x380, s18;
	s18 =	sshrl.u32 s20, $0x11  }
0x5c: {  	s13 =	sshrl.u32 s13, $0x11;
	s20 =	smul.u32 $0xAAAB, s31;
	s17 =	sshrl.u32 s17, $0x11  }
0x5d: {  	s21 =	smul.u32 $0xAAAB, s23;
	s11 =	sand.u32 $0xFF80, s11;
	s13 =	sand.u32 $0x30, s13  }
0x5e: {  	s15 =	sand.u32 $0x1C00, s15;
	s13 =	sadd.s32 s13, s16;
	s16 =	sand.u32 $0x30, s17  }
0x5f: {  	s18 =	sand.u32 $0x30, s18;
	s17 =	smul.u32 $0x1800, s24;
	s13 =	sshll.u32 s13, $0x7  }
0x60: {  	s14 =	sadd.s32 s18, s14;
	s18 =	sshrl.u32 s28, $0x11;
	s13 =	sand.u32 $0x1C00, s13  }
0x61: {  	s20 =	sshrl.u32 s20, $0x11;
	s14 =	sshll.u32 s14, $0x7;
	s13 =	sadd.s32 s13, s17  }
0x62: {  	s21 =	sshrl.u32 s21, $0x11;
	s16 =	sadd.s32 s16, s26;
	s18 =	sand.u32 $0x30, s18  }
0x63: {  	s21 =	sand.u32 $0x30, s21;
	s20 =	sand.u32 $0x30, s20;
	s14 =	sand.u32 $0x1C00, s14  }
0x64: {  	s9 =	sadd.s32 s21, s9;
	s12 =	sadd.s32 s20, s12;
	s14 =	sadd.s32 s14, s17  }
0x65: {  	s9 =	sshll.u32 s9, $0x7;
	s12 =	sshll.u32 s12, $0x7;
	s14 =	sor.u32 s8, s14  }
0x66: {  	s9 =	sand.u32 $0x1C00, s9;
	s18 =	sadd.s32 s18, s10;
	s12 =	sand.u32 $0x1C00, s12;
	v0 =	vld [tilespmem:s14+$0x6C60]  }
0x67: {  	s9 =	sadd.s32 s9, s17;
	s10 =	sor.u32 s8, s13;
	s13 =	sshll.u32 s18, $0x7  }
.Ltmp2:
0x68: {  	s15 =	sadd.s32 s15, s17;
	s13 =	sand.u32 $0x1C00, s13;
	v2 =	vld [tilespmem:s10+$0x6C20];
	(pc) =	sbr.rel @p1 .LBB2_3-.Ltmp2, $4  }
0x69: {  	s30 =	sor.u32 s8, s15;
	s15 =	sshll.u32 s16, $0x7;
	s13 =	sadd.s32 s13, s17  }
0x6a: {  	s11 =	sadd.s32 s11, s17;
	s16 =	sand.u32 $0x1C00, s15;
	s13 =	sor.u32 s8, s13;
	v1 =	vld [tilespmem:s30+$0x6C30]  }
0x6b: {  	s15 =	sor.u32 s8, s11;
	s11 =	sor.u32 s8, s9;
	s16 =	sadd.s32 s16, s17;
	[tilespmem:s14+$0xCC60] =	vst.add.f32.msk $0xffff, v0  }
0x6c: {  	s9 =	sadd.s32 s12, s17;
	s29 =	sor.u32 s8, s16;
	v0 =	vld [tilespmem:s13+$0x6C70]  }
0x6d: {  	v3 =	vld [tilespmem:s11+$0x6C10]  }
0x6e: {  	v4 =	vld [tilespmem:s15+$0x6C00]  }
0x6f: {  	[tilespmem:s10+$0xCC20] =	vst.add.f32.msk $0xffff, v2  }
0x70: {  	s1 =	sor.u32 s8, s9;
	v5 =	vld [tilespmem:s29+$0x6C50]  }
0x71: {  	v2 =	vld [tilespmem:s1+$0x6C40]  }
0x72: {  	s8 =	sshll.u32 s2, $0x6;
	[tilespmem:s30+$0xCC30] =	vst.add.f32.msk $0xffff, v1  }
0x73: {  	s20 =	sadd.s32 s19, s8;
	[tilespmem:s13+$0xCC70] =	vst.add.f32.msk $0xffff, v0  }
0x74: {  	s9 =	sshrl.u32 s20, $0x3;
	[tilespmem:s15+$0xCC00] =	vst.add.f32.msk $0xffff, v4  }
0x75: {  	s9 =	smul.u32 $0x300, s9;
	[tilespmem:s11+$0xCC10] =	vst.add.f32.msk $0xffff, v3  }
0x76: {  	[tilespmem:s29+$0xCC50] =	vst.add.f32.msk $0xffff, v5  }
0x77: {  	s0 =	simm.s32 $0xCC00;
	s9 =	sadd.s32 s7, s9;
	[tilespmem:s1+$0xCC40] =	vst.add.f32.msk $0xffff, v2;
	s1 =	sshll.u32 s2, $0x2  }
0x78: {  	[hbm4b:s9+s5] =	stream.linear.scatter [tilespmem:s0], [sflag:$0x7], $0x3000, $0x38;
	[tilespmem:$0x18C00] =	vst v63  }
0x79: {  	p1 =	seq.s32 s2, $0x0;
	s21 =	sor.u32 $0x2, s1  }
0x7a: {  	s12 =	simm.s32 @!p1 $0x9;
	s9 =	sshll.u32 s21, $0x4  }
0x7b: {  	_ =	swait.ge @!p1 [sflag:s12], $0x3000;
	s23 =	sadd.s32 s6, s9  }
0x7c: {  	s10 =	smul.u32 $0xC000, s21;
	[sflag:s12] =	ssyncset.done @!p1 $0x0;
	s11 =	sshrl.u32 s23, $0x3  }
0x7d: {  	[sflag:s12] =	ssyncadd.s32 @!p1 $0xFFFFD000;
	s11 =	smul.u32 $0x300, s11  }
0x7e: {  	s25 =	simm.s32 $0x12C00;
	s24 =	rddreg [dreg:$0x0]  }
0x7f: {  	s10 =	sshra.s32 s10, $0x2;
	s26 =	rddreg [dreg:$0x3];
	s11 =	sadd.s32 s24, s11  }
0x80: {  	[tilespmem:s25], [sflag:$0x5] =	stream.linear.gather [hbm4b:s11+s5], $0x3000, $0x38;
	[tilespmem:$0x18C00] =	vst v63  }
0x81: {  	s28 =	simm.s32 $0x6C00;
	s10 =	sadd.s32 s10, s26  }
0x82: {  	[tilespmem:s28], [sflag:$0x1] =	stream.linear.gather [spmem:s10], $0x3000, $0x38;
	[tilespmem:$0x18C00] =	vst v63  }
0x83: {  	s29 =	simm.s32 $0x4;
	s10 =	simm.s32 $0x0  }
0x84: {  	_ =	swait.ge [sflag:s29], $0x3000;
	s30 =	sor.u32 $0x3, s10;
	s0 =	sor.u32 $0x1, s10  }
0x85: {  	s3 =	sor.u32 $0x2, s10;
	s4 =	sor.u32 $0x4, s10;
	s17 =	sor.u32 $0x5, s10  }
0x86: {  	s18 =	sor.u32 $0x6, s10;
	s20 =	smul.u32 $0xAAAB, s10;
	s26 =	sor.u32 $0x7, s10  }
0x87: {  	[sflag:s29] =	ssyncset.done $0x0;
	s14 =	sand.u32 $0xFFFF, s30;
	s16 =	sand.u32 $0xFFFF, s3  }
0x88: {  	s21 =	sand.u32 $0xFFFF, s18;
	s23 =	sand.u32 $0xFFFF, s17;
	s14 =	smul.u32 $0xAAAB, s14  }
0x89: {  	s24 =	sand.u32 $0xFFFF, s0;
	s25 =	sand.u32 $0xFFFF, s4;
	s16 =	smul.u32 $0xAAAB, s16  }
0x8a: {  	s28 =	sand.u32 $0xFFFF, s26;
	[sflag:s29] =	ssyncadd.s32 $0xFFFFD000;
	s21 =	smul.u32 $0xAAAB, s21  }
0x8b: {  	s23 =	smul.u32 $0xAAAB, s23;
	s29 =	sshrl.u32 s20, $0x15;
	_ =	swait.ge [sflag:s22], $0x3000  }
0x8c: {  	s12 =	smul.u32 $0x30, s29;
	[sflag:s22] =	ssyncset.done $0x0;
	s14 =	sshrl.u32 s14, $0x11  }
0x8d: {  	s16 =	sshrl.u32 s16, $0x11;
	s21 =	sshrl.u32 s21, $0x11;
	s23 =	sshrl.u32 s23, $0x11  }
0x8e: {  	s14 =	sand.u32 $0x30, s14;
	s16 =	sand.u32 $0x30, s16;
	s21 =	sand.u32 $0x30, s21  }
0x8f: {  	s23 =	sand.u32 $0x30, s23;
	s13 =	sadd.s32 s16, s3;
	s16 =	smul.u32 $0xAAAB, s24  }
0x90: {  	[sflag:s22] =	ssyncadd.s32 $0xFFFFD000;
	s11 =	sadd.s32 s14, s30;
	s14 =	smul.u32 $0xAAAB, s25  }
0x91: {  	s17 =	sadd.s32 s23, s17;
	s23 =	smul.u32 $0xAAAB, s28;
	s30 =	sshrl.u32 s20, $0x18  }
0x92: {  	s18 =	sadd.s32 s21, s18;
	s3 =	sshrl.u32 s20, $0xE;
	s24 =	smul.u32 $0x1800, s30  }
0x93: {  	s11 =	sshll.u32 s11, $0x7;
	s13 =	sshll.u32 s13, $0x7;
	s16 =	sshrl.u32 s16, $0x11  }
0x94: {  	s28 =	sshll.u32 s17, $0x7;
	s14 =	sshrl.u32 s14, $0x11;
	s16 =	sand.u32 $0x30, s16  }
0x95: {  	s14 =	sand.u32 $0x30, s14;
	s16 =	sadd.s32 s16, s0;
	s0 =	sshll.u32 s18, $0x7  }
0x96: {  	s23 =	sshrl.u32 s23, $0x11;
	s14 =	sadd.s32 s14, s4;
	s15 =	sand.u32 $0x1C00, s0  }
0x97: {  	s4 =	ssub.s32 $0x0, s12;
	s12 =	sand.u32 $0x380, s3;
	s15 =	sadd.s32 s15, s24  }
0x98: {  	s11 =	sand.u32 $0x1C00, s11;
	s13 =	sand.u32 $0x1C00, s13;
	s15 =	sor.u32 s12, s15  }
0x99: {  	s13 =	sadd.s32 s13, s24;
	s11 =	sadd.s32 s11, s24;
	s18 =	sand.u32 $0x30, s23;
	v0 =	vld [tilespmem:s15+$0x9C60]  }
0x9a: {  	s20 =	sshll.u32 s4, $0x7;
	s18 =	sadd.s32 s18, s26;
	s16 =	sshll.u32 s16, $0x7  }
0x9b: {  	s14 =	sshll.u32 s14, $0x7;
	s26 =	sor.u32 s12, s13;
	s25 =	sshll.u32 s18, $0x7  }
0x9c: {  	s20 =	sand.u32 $0xFF80, s20;
	s16 =	sand.u32 $0x1C00, s16;
	s13 =	sand.u32 $0x1C00, s25  }
0x9d: {  	s14 =	sand.u32 $0x1C00, s14;
	v2 =	vld [tilespmem:s26+$0x9C20];
	s29 =	sadd.s32 s20, s24;
	s13 =	sadd.s32 s13, s24  }
0x9e: {  	s31 =	sor.u32 s12, s13;
	[tilespmem:s15+$0xFC60] =	vst.add.f32.msk $0xffff, v0;
	s15 =	sor.u32 s12, s11;
	s11 =	sand.u32 $0x1C00, s28  }
0x9f: {  	s16 =	sadd.s32 s16, s24;
	s17 =	sor.u32 s12, s29;
	v0 =	vld [tilespmem:s31+$0x9C70];
	s30 =	sadd.s32 s11, s24  }
0xa0: {  	s16 =	sor.u32 s12, s16;
	s11 =	sadd.s32 s14, s24;
	v1 =	vld [tilespmem:s15+$0x9C30];
	s14 =	sor.u32 s12, s30  }
.LBB2_5:
0xa1: {  	s10 =	sadd.s32 $0x8, s10;
	v3 =	vld [tilespmem:s16+$0x9C10];
	s12 =	sor.u32 s12, s11  }
0xa2: {  	s13 =	sor.u32 $0x1, s10;
	s18 =	sor.u32 $0x2, s10;
	s20 =	sor.u32 $0x3, s10;
	v4 =	vld [tilespmem:s17+$0x9C00]  }
0xa3: {  	s29 =	sor.u32 $0x4, s10;
	s30 =	sor.u32 $0x5, s10;
	s11 =	sor.u32 $0x6, s10;
	[tilespmem:s26+$0xFC20] =	vst.add.f32.msk $0xffff, v2  }
0xa4: {  	s21 =	smul.u32 $0xAAAB, s10;
	s23 =	sand.u32 $0xFFFF, s11;
	s26 =	sor.u32 $0x7, s10;
	v2 =	vld [tilespmem:s12+$0x9C40]  }
0xa5: {  	s24 =	sand.u32 $0xFFFF, s13;
	s25 =	sand.u32 $0xFFFF, s20;
	s28 =	sand.u32 $0xFFFF, s30;
	v5 =	vld [tilespmem:s14+$0x9C50]  }
0xa6: {  	s3 =	sand.u32 $0xFFFF, s18;
	s0 =	sshrl.u32 s21, $0x18;
	s25 =	smul.u32 $0xAAAB, s25;
	[tilespmem:s15+$0xFC30] =	vst.add.f32.msk $0xffff, v1  }
0xa7: {  	s23 =	smul.u32 $0xAAAB, s23;
	s4 =	sand.u32 $0xFFFF, s26;
	s15 =	sshrl.u32 s21, $0x15;
	[tilespmem:s17+$0xFC00] =	vst.add.f32.msk $0xffff, v4  }
0xa8: {  	s4 =	smul.u32 $0xAAAB, s4;
	s17 =	sshrl.u32 s25, $0x11;
	s25 =	sand.u32 $0xFFFF, s29;
	[tilespmem:s16+$0xFC10] =	vst.add.f32.msk $0xffff, v3  }
0xa9: {  	s15 =	smul.u32 $0x30, s15;
	s16 =	sshrl.u32 s21, $0xE;
	s17 =	sand.u32 $0x30, s17;
	[tilespmem:s31+$0xFC70] =	vst.add.f32.msk $0xffff, v0  }
0xaa: {  	p2 =	slt.u32 s10, $0x2F8;
	s3 =	smul.u32 $0xAAAB, s3;
	s17 =	sadd.s32 s17, s20;
	[tilespmem:s14+$0xFC50] =	vst.add.f32.msk $0xffff, v5  }
0xab: {  	s14 =	ssub.s32 s10, s15;
	s15 =	sshll.u32 s17, $0x7;
	s17 =	smul.u32 $0xAAAB, s28;
	[tilespmem:s12+$0xFC40] =	vst.add.f32.msk $0xffff, v2  }
0xac: {  	s14 =	sshll.u32 s14, $0x7;
	s12 =	sand.u32 $0x380, s16;
	s16 =	sshrl.u32 s23, $0x11  }
0xad: {  	s3 =	sshrl.u32 s3, $0x11;
	s20 =	smul.u32 $0xAAAB, s25;
	s17 =	sshrl.u32 s17, $0x11  }
0xae: {  	s3 =	sand.u32 $0x30, s3;
	s21 =	smul.u32 $0xAAAB, s24;
	s14 =	sand.u32 $0xFF80, s14  }
0xaf: {  	s3 =	sadd.s32 s3, s18;
	s15 =	sand.u32 $0x1C00, s15;
	s17 =	sand.u32 $0x30, s17  }
0xb0: {  	s0 =	smul.u32 $0x1800, s0;
	s3 =	sshll.u32 s3, $0x7;
	s16 =	sand.u32 $0x30, s16  }
0xb1: {  	s4 =	sshrl.u32 s4, $0x11;
	s3 =	sand.u32 $0x1C00, s3;
	s11 =	sadd.s32 s16, s11  }
0xb2: {  	s3 =	sadd.s32 s3, s0;
	s16 =	sshrl.u32 s20, $0x11;
	s11 =	sshll.u32 s11, $0x7  }
0xb3: {  	s4 =	sand.u32 $0x30, s4;
	s18 =	sshrl.u32 s21, $0x11;
	s17 =	sadd.s32 s17, s30  }
0xb4: {  	s18 =	sand.u32 $0x30, s18;
	s16 =	sand.u32 $0x30, s16;
	s11 =	sand.u32 $0x1C00, s11  }
0xb5: {  	s13 =	sadd.s32 s18, s13;
	s16 =	sadd.s32 s16, s29;
	s11 =	sadd.s32 s11, s0  }
0xb6: {  	s13 =	sshll.u32 s13, $0x7;
	s16 =	sshll.u32 s16, $0x7;
	s11 =	sor.u32 s12, s11  }
0xb7: {  	s4 =	sadd.s32 s4, s26;
	s13 =	sand.u32 $0x1C00, s13;
	s18 =	sand.u32 $0x1C00, s16;
	v0 =	vld [tilespmem:s11+$0x9C60]  }
0xb8: {  	s26 =	sor.u32 s12, s3;
	s3 =	sshll.u32 s4, $0x7;
	s13 =	sadd.s32 s13, s0  }
.Ltmp3:
0xb9: {  	s4 =	sadd.s32 s15, s0;
	s3 =	sand.u32 $0x1C00, s3;
	v2 =	vld [tilespmem:s26+$0x9C20];
	(pc) =	sbr.rel @p2 .LBB2_5-.Ltmp3, $4  }
0xba: {  	s15 =	sor.u32 s12, s4;
	s3 =	sadd.s32 s3, s0;
	s4 =	sshll.u32 s17, $0x7  }
0xbb: {  	s14 =	sadd.s32 s14, s0;
	s31 =	sor.u32 s12, s3;
	s4 =	sand.u32 $0x1C00, s4;
	v1 =	vld [tilespmem:s15+$0x9C30]  }
0xbc: {  	s17 =	sor.u32 s12, s14;
	s16 =	sor.u32 s12, s13;
	s3 =	sadd.s32 s4, s0;
	[tilespmem:s11+$0xFC60] =	vst.add.f32.msk $0xffff, v0  }
0xbd: {  	s14 =	sor.u32 s12, s3;
	s11 =	sadd.s32 s18, s0;
	v0 =	vld [tilespmem:s31+$0x9C70]  }
0xbe: {  	v4 =	vld [tilespmem:s17+$0x9C00]  }
0xbf: {  	s0 =	sor.u32 s12, s11;
	[tilespmem:s26+$0xFC20] =	vst.add.f32.msk $0xffff, v2  }
0xc0: {  	v2 =	vld [tilespmem:s0+$0x9C40]  }
0xc1: {  	v3 =	vld [tilespmem:s16+$0x9C10];
	s20 =	simm.s32 $0xFC00;
	s10 =	simm.s32 $0x0  }
0xc2: {  	s21 =	sor.u32 $0x3, s1;
	s4 =	simm.s32 @!p1 $0xA;
	[tilespmem:s15+$0xFC30] =	vst.add.f32.msk $0xffff, v1;
	s15 =	sor.u32 $0x2, s10  }
0xc3: {  	s24 =	simm.s32 $0x15C00;
	s26 =	simm.s32 $0x9C00;
	s13 =	sand.u32 $0xFFFF, s15;
	[tilespmem:s17+$0xFC00] =	vst.add.f32.msk $0xffff, v4  }
0xc4: {  	v5 =	vld [tilespmem:s14+$0x9C50];
	s28 =	simm.s32 $0x5;
	s13 =	smul.u32 $0xAAAB, s13;
	s3 =	rddreg [dreg:$0x8]  }
0xc5: {  	s29 =	sor.u32 $0x3, s10;
	[tilespmem:s0+$0xFC40] =	vst.add.f32.msk $0xffff, v2;
	s0 =	smul.u32 $0xC000, s21;
	s3 =	sadd.s32 s8, s3  }
0xc6: {  	s30 =	sor.u32 $0x1, s10;
	[tilespmem:s16+$0xFC10] =	vst.add.f32.msk $0xffff, v3;
	s16 =	smul.u32 $0xAAAB, s10;
	s3 =	sshrl.u32 s3, $0x3  }
0xc7: {  	s12 =	sor.u32 $0x4, s10;
	s8 =	sshll.u32 s21, $0x4;
	s3 =	smul.u32 $0x300, s3  }
0xc8: {  	[tilespmem:s31+$0xFC70] =	vst.add.f32.msk $0xffff, v0;
	s13 =	sshrl.u32 s13, $0x11;
	s21 =	sor.u32 $0x5, s10;
	s23 =	sadd.s32 s6, s8  }
0xc9: {  	[tilespmem:s14+$0xFC50] =	vst.add.f32.msk $0xffff, v5;
	s0 =	sshra.s32 s0, $0x2;
	s18 =	sadd.s32 s7, s3;
	s3 =	sshrl.u32 s23, $0x3  }
0xca: {  	[hbm4b:s18+s5] =	stream.linear.scatter [tilespmem:s20], [sflag:$0x8], $0x3000, $0x38;
	[tilespmem:$0x18C00] =	vst v63  }
0xcb: {  	s3 =	smul.u32 $0x300, s3;
	s18 =	sand.u32 $0xFFFF, s29;
	_ =	swait.ge @!p1 [sflag:s4], $0x3000  }
0xcc: {  	s11 =	smul.u32 $0xAAAB, s18;
	s18 =	sand.u32 $0xFFFF, s21;
	[sflag:s4] =	ssyncset.done @!p1 $0x0  }
0xcd: {  	s23 =	sor.u32 $0x6, s10;
	s18 =	smul.u32 $0xAAAB, s18;
	[sflag:s4] =	ssyncadd.s32 @!p1 $0xFFFFD000  }
0xce: {  	s20 =	simm.s32 $0x1;
	s11 =	sshrl.u32 s11, $0x11;
	s4 =	rddreg [dreg:$0x0]  }
0xcf: {  	s25 =	rddreg [dreg:$0x3];
	s11 =	sand.u32 $0x30, s11;
	s18 =	sshrl.u32 s18, $0x11  }
0xd0: {  	s3 =	sadd.s32 s4, s3;
	s0 =	sadd.s32 s0, s25;
	s25 =	sand.u32 $0x30, s13  }
0xd1: {  	[tilespmem:s24], [sflag:$0x6] =	stream.linear.gather [hbm4b:s3+s5], $0x3000, $0x38;
	[tilespmem:$0x18C00] =	vst v63  }
0xd2: {  	s18 =	sand.u32 $0x30, s18;
	s24 =	sand.u32 $0xFFFF, s23;
	s4 =	sadd.s32 s25, s15  }
0xd3: {  	s14 =	sadd.s32 s18, s21;
	s21 =	sshrl.u32 s16, $0x18;
	s25 =	sshrl.u32 s16, $0xE  }
0xd4: {  	[tilespmem:s26], [sflag:$0x2] =	stream.linear.gather [spmem:s0], $0x3000, $0x38;
	[tilespmem:$0x18C00] =	vst v63  }
0xd5: {  	s17 =	smul.u32 $0xAAAB, s24;
	s4 =	sshll.u32 s4, $0x7;
	s0 =	sadd.s32 s11, s29  }
0xd6: {  	s26 =	sand.u32 $0xFFFF, s30;
	s4 =	sand.u32 $0x1C00, s4;
	_ =	swait.ge [sflag:s28], $0x3000  }
0xd7: {  	s17 =	sshrl.u32 s17, $0x11;
	s13 =	smul.u32 $0xAAAB, s26;
	s0 =	sshll.u32 s0, $0x7  }
0xd8: {  	[sflag:s28] =	ssyncset.done $0x0;
	s17 =	sand.u32 $0x30, s17;
	s0 =	sand.u32 $0x1C00, s0  }
0xd9: {  	[sflag:s28] =	ssyncadd.s32 $0xFFFFD000;
	s28 =	sand.u32 $0xFFFF, s12;
	s15 =	sadd.s32 s17, s23  }
0xda: {  	s13 =	sshrl.u32 s13, $0x11;
	s17 =	sor.u32 $0x7, s10;
	s23 =	smul.u32 $0x1800, s21  }
0xdb: {  	_ =	swait.ge [sflag:s20], $0x3000;
	s11 =	smul.u32 $0xAAAB, s28;
	s13 =	sand.u32 $0x30, s13  }
0xdc: {  	s29 =	sand.u32 $0xFFFF, s17;
	s24 =	sshll.u32 s15, $0x7;
	[sflag:s20] =	ssyncset.done $0x0  }
0xdd: {  	s3 =	sadd.s32 s13, s30;
	s30 =	sshrl.u32 s16, $0x15;
	s18 =	smul.u32 $0xAAAB, s29  }
0xde: {  	s26 =	sand.u32 $0x1C00, s24;
	s4 =	sadd.s32 s4, s23;
	s0 =	sadd.s32 s0, s23  }
0xdf: {  	s11 =	sshrl.u32 s11, $0x11;
	s13 =	smul.u32 $0x30, s30;
	[sflag:s20] =	ssyncadd.s32 $0xFFFFD000  }
0xe0: {  	s16 =	sadd.s32 s26, s23;
	s3 =	sshll.u32 s3, $0x7;
	s11 =	sand.u32 $0x30, s11  }
0xe1: {  	s30 =	sshll.u32 s14, $0x7;
	s11 =	sadd.s32 s11, s12;
	s12 =	sand.u32 $0x380, s25  }
0xe2: {  	s28 =	sshrl.u32 s18, $0x11;
	s3 =	sand.u32 $0x1C00, s3;
	s16 =	sor.u32 s12, s16  }
0xe3: {  	s13 =	ssub.s32 $0x0, s13;
	s15 =	sand.u32 $0x30, s28;
	s3 =	sadd.s32 s3, s23;
	v0 =	vld [tilespmem:s16+$0x6C60]  }
0xe4: {  	s13 =	sshll.u32 s13, $0x7;
	s15 =	sadd.s32 s15, s17;
	s11 =	sshll.u32 s11, $0x7  }
0xe5: {  	s26 =	sor.u32 s12, s4;
	s13 =	sand.u32 $0xFF80, s13;
	s29 =	sshll.u32 s15, $0x7  }
0xe6: {  	s11 =	sand.u32 $0x1C00, s11;
	s15 =	sor.u32 s12, s0;
	v2 =	vld [tilespmem:s26+$0x6C20];
	s4 =	sand.u32 $0x1C00, s29  }
0xe7: {  	s0 =	sand.u32 $0x1C00, s30;
	s13 =	sadd.s32 s13, s23;
	v1 =	vld [tilespmem:s15+$0x6C30];
	s4 =	sadd.s32 s4, s23  }
0xe8: {  	s0 =	sadd.s32 s0, s23;
	s11 =	sadd.s32 s11, s23;
	s31 =	sor.u32 s12, s4;
	[tilespmem:s16+$0x12C60] =	vst.add.f32.msk $0xffff, v0  }
0xe9: {  	s17 =	sor.u32 s12, s13;
	s14 =	sor.u32 s12, s0;
	s16 =	sor.u32 s12, s3;
	v0 =	vld [tilespmem:s31+$0x6C70]  }
.LBB2_7:
0xea: {  	s10 =	sadd.s32 $0x8, s10;
	v3 =	vld [tilespmem:s16+$0x6C10];
	s0 =	sor.u32 s12, s11  }
0xeb: {  	s13 =	sor.u32 $0x1, s10;
	s3 =	sor.u32 $0x2, s10;
	s4 =	sor.u32 $0x3, s10;
	v4 =	vld [tilespmem:s17+$0x6C00]  }
0xec: {  	s29 =	sor.u32 $0x4, s10;
	s30 =	sor.u32 $0x5, s10;
	s11 =	sor.u32 $0x6, s10;
	[tilespmem:s26+$0x12C20] =	vst.add.f32.msk $0xffff, v2  }
0xed: {  	s12 =	smul.u32 $0xAAAB, s10;
	s18 =	sand.u32 $0xFFFF, s11;
	s26 =	sor.u32 $0x7, s10;
	v2 =	vld [tilespmem:s0+$0x6C40]  }
0xee: {  	s20 =	sand.u32 $0xFFFF, s13;
	s21 =	sand.u32 $0xFFFF, s4;
	s23 =	sand.u32 $0xFFFF, s30;
	v5 =	vld [tilespmem:s14+$0x6C50]  }
0xef: {  	s25 =	sand.u32 $0xFFFF, s3;
	s24 =	sshrl.u32 s12, $0x18;
	s21 =	smul.u32 $0xAAAB, s21;
	[tilespmem:s15+$0x12C30] =	vst.add.f32.msk $0xffff, v1  }
0xf0: {  	s18 =	smul.u32 $0xAAAB, s18;
	s28 =	sand.u32 $0xFFFF, s26;
	s15 =	sshrl.u32 s12, $0x15;
	[tilespmem:s17+$0x12C00] =	vst.add.f32.msk $0xffff, v4  }
0xf1: {  	s28 =	smul.u32 $0xAAAB, s28;
	s17 =	sshrl.u32 s21, $0x11;
	s21 =	sand.u32 $0xFFFF, s29;
	[tilespmem:s16+$0x12C10] =	vst.add.f32.msk $0xffff, v3  }
0xf2: {  	s12 =	sshrl.u32 s12, $0xE;
	s15 =	smul.u32 $0x30, s15;
	s16 =	sand.u32 $0x30, s17;
	[tilespmem:s31+$0x12C70] =	vst.add.f32.msk $0xffff, v0  }
0xf3: {  	p1 =	slt.u32 s10, $0x2F8;
	s17 =	smul.u32 $0xAAAB, s25;
	s4 =	sadd.s32 s16, s4;
	[tilespmem:s14+$0x12C50] =	vst.add.f32.msk $0xffff, v5  }
0xf4: {  	s14 =	ssub.s32 s10, s15;
	s4 =	sshll.u32 s4, $0x7;
	s15 =	smul.u32 $0xAAAB, s23;
	[tilespmem:s0+$0x12C40] =	vst.add.f32.msk $0xffff, v2  }
0xf5: {  	s12 =	sand.u32 $0x380, s12;
	s0 =	sshll.u32 s14, $0x7;
	s14 =	sshrl.u32 s18, $0x11  }
0xf6: {  	s16 =	sshrl.u32 s17, $0x11;
	s17 =	smul.u32 $0xAAAB, s21;
	s15 =	sshrl.u32 s15, $0x11  }
0xf7: {  	s18 =	smul.u32 $0xAAAB, s20;
	s16 =	sand.u32 $0x30, s16;
	s0 =	sand.u32 $0xFF80, s0  }
0xf8: {  	s4 =	sand.u32 $0x1C00, s4;
	s3 =	sadd.s32 s16, s3;
	s15 =	sand.u32 $0x30, s15  }
0xf9: {  	s20 =	smul.u32 $0x1800, s24;
	s14 =	sand.u32 $0x30, s14;
	s3 =	sshll.u32 s3, $0x7  }
0xfa: {  	s11 =	sadd.s32 s14, s11;
	s14 =	sshrl.u32 s28, $0x11;
	s3 =	sand.u32 $0x1C00, s3  }
0xfb: {  	s16 =	sshrl.u32 s17, $0x11;
	s11 =	sshll.u32 s11, $0x7;
	s3 =	sadd.s32 s3, s20  }
0xfc: {  	s17 =	sshrl.u32 s18, $0x11;
	s18 =	sadd.s32 s15, s30;
	s14 =	sand.u32 $0x30, s14  }
0xfd: {  	s16 =	sand.u32 $0x30, s16;
	s15 =	sand.u32 $0x30, s17;
	s11 =	sand.u32 $0x1C00, s11  }
0xfe: {  	s13 =	sadd.s32 s15, s13;
	s15 =	sadd.s32 s16, s29;
	s11 =	sadd.s32 s11, s20  }
0xff: {  	s13 =	sshll.u32 s13, $0x7;
	s15 =	sshll.u32 s15, $0x7;
	s11 =	sor.u32 s12, s11  }
0x100: {  	s14 =	sadd.s32 s14, s26;
	s13 =	sand.u32 $0x1C00, s13;
	s21 =	sand.u32 $0x1C00, s15;
	v0 =	vld [tilespmem:s11+$0x6C60]  }
0x101: {  	s26 =	sor.u32 s12, s3;
	s3 =	sshll.u32 s14, $0x7;
	s13 =	sadd.s32 s13, s20  }
.Ltmp4:
0x102: {  	s4 =	sadd.s32 s4, s20;
	s3 =	sand.u32 $0x1C00, s3;
	v2 =	vld [tilespmem:s26+$0x6C20];
	(pc) =	sbr.rel @p1 .LBB2_7-.Ltmp4, $4  }
0x103: {  	s15 =	sor.u32 s12, s4;
	s4 =	sshll.u32 s18, $0x7;
	s3 =	sadd.s32 s3, s20  }
0x104: {  	s0 =	sadd.s32 s0, s20;
	s4 =	sand.u32 $0x1C00, s4;
	s31 =	sor.u32 s12, s3;
	v1 =	vld [tilespmem:s15+$0x6C30]  }
0x105: {  	s17 =	sor.u32 s12, s0;
	s16 =	sor.u32 s12, s13;
	s0 =	sadd.s32 s4, s20;
	[tilespmem:s11+$0x12C60] =	vst.add.f32.msk $0xffff, v0  }
0x106: {  	s14 =	sor.u32 s12, s0;
	s11 =	sadd.s32 s21, s20;
	v0 =	vld [tilespmem:s31+$0x6C70]  }
0x107: {  	v3 =	vld [tilespmem:s16+$0x6C10]  }
0x108: {  	v4 =	vld [tilespmem:s17+$0x6C00]  }
0x109: {  	[tilespmem:s26+$0x12C20] =	vst.add.f32.msk $0xffff, v2  }
0x10a: {  	s0 =	sor.u32 s12, s11;
	v5 =	vld [tilespmem:s14+$0x6C50]  }
0x10b: {  	v2 =	vld [tilespmem:s0+$0x6C40]  }
0x10c: {  	[tilespmem:s15+$0x12C30] =	vst.add.f32.msk $0xffff, v1  }
0x10d: {  	s3 =	sadd.s32 s19, s9;
	[tilespmem:s31+$0x12C70] =	vst.add.f32.msk $0xffff, v0  }
0x10e: {  	s3 =	sshrl.u32 s3, $0x3;
	[tilespmem:s17+$0x12C00] =	vst.add.f32.msk $0xffff, v4  }
0x10f: {  	s3 =	smul.u32 $0x300, s3;
	[tilespmem:s16+$0x12C10] =	vst.add.f32.msk $0xffff, v3  }
0x110: {  	p1 =	seq.s32 s2, $0x8;
	[tilespmem:s14+$0x12C50] =	vst.add.f32.msk $0xffff, v5  }
0x111: {  	s15 =	sadd.s32 s7, s3;
	s16 =	simm.s32 $0x12C00;
	[tilespmem:s0+$0x12C40] =	vst.add.f32.msk $0xffff, v2;
	s0 =	sadd.s32 @!p1 $0x4, s1  }
0x112: {  	[hbm4b:s15+s5] =	stream.linear.scatter [tilespmem:s16], [sflag:$0x9], $0x3000, $0x38;
	[tilespmem:$0x18C00] =	vst v63  }
0x113: {  	s4 =	simm.s32 @!p1 $0x7;
	s3 =	sshll.u32 @!p1 s0, $0x4  }
0x114: {  	p2 =	seq.s32 @!p1 s0, $0x24;
	s3 =	sadd.s32 @!p1 s6, s3;
	_ =	swait.ge @!p1 [sflag:s4], $0x3000  }
0x115: {  	s0 =	smul.u32 @!p1 $0xC000, s0;
	s3 =	sshrl.u32 @!p1 s3, $0x3;
	[sflag:s4] =	ssyncset.done @!p1 $0x0  }
0x116: {  	s3 =	smul.u32 @!p1 $0x300, s3;
	[sflag:s4] =	ssyncadd.s32 @!p1 $0xFFFFD000  }
0x117: {  	s9 =	simm.s32 @!p1 $0xCC00;
	p2 =	por !p2, p1;
	s4 =	rddreg [dreg:$0x0]  }
0x118: {  	s0 =	simm.s32 @!p2 $0x0;
	s3 =	sadd.s32 @!p1 s4, s3;
	s4 =	simm.s32 @!p1 $0x0  }
0x119: {  	[tilespmem:s9], [sflag:$0x3] =	stream.linear.gather @!p1 [hbm4b:s3+s4], $0x3000, $0x38;
	[tilespmem:$0x18C00] =	vst v63  }
0x11a: {  	s17 =	simm.s32 $0x6;
	s0 =	sshra.s32 @!p1 s0, $0x2;
	s3 =	rddreg [dreg:$0x3]  }
0x11b: {  	s9 =	simm.s32 $0x0;
	s0 =	sadd.s32 @!p1 s0, s3;
	s3 =	simm.s32 @!p1 $0x6C00  }
0x11c: {  	s18 =	sor.u32 $0x3, s9;
	s20 =	sor.u32 $0x2, s9;
	s11 =	sor.u32 $0x4, s9  }
0x11d: {  	s13 =	sor.u32 $0x5, s9;
	s23 =	sor.u32 $0x6, s9;
	s15 =	smul.u32 $0xAAAB, s9  }
0x11e: {  	[tilespmem:s3], [sflag:$0x1] =	stream.linear.gather @!p1 [spmem:s0], $0x3000, $0x38;
	[tilespmem:$0x18C00] =	vst v63  }
0x11f: {  	s31 =	sor.u32 $0x7, s9;
	s3 =	sor.u32 $0x1, s9;
	s10 =	sand.u32 $0xFFFF, s18  }
0x120: {  	s21 =	sand.u32 $0xFFFF, s20;
	s24 =	sand.u32 $0xFFFF, s23;
	s10 =	smul.u32 $0xAAAB, s10  }
0x121: {  	s25 =	sand.u32 $0xFFFF, s13;
	s29 =	sand.u32 $0xFFFF, s11;
	s12 =	smul.u32 $0xAAAB, s21  }
0x122: {  	_ =	swait.ge [sflag:s17], $0x3000;
	s16 =	smul.u32 $0xAAAB, s24;
	s28 =	sand.u32 $0xFFFF, s3  }
0x123: {  	s21 =	sshrl.u32 s15, $0x18;
	s24 =	sshrl.u32 s15, $0xE;
	[sflag:s17] =	ssyncset.done $0x0  }
0x124: {  	[sflag:s17] =	ssyncadd.s32 $0xFFFFD000;
	s10 =	sshrl.u32 s10, $0x11;
	s12 =	sshrl.u32 s12, $0x11  }
0x125: {  	s17 =	smul.u32 $0xAAAB, s25;
	s16 =	sshrl.u32 s16, $0x11;
	_ =	swait.ge [sflag:s22], $0x3000  }
0x126: {  	s10 =	sand.u32 $0x30, s10;
	s26 =	sand.u32 $0x30, s12;
	s12 =	smul.u32 $0xAAAB, s28  }
0x127: {  	s16 =	sand.u32 $0x30, s16;
	[sflag:s22] =	ssyncset.done $0x0;
	s0 =	sadd.s32 s10, s18  }
0x128: {  	s4 =	sadd.s32 s26, s20;
	s10 =	smul.u32 $0xAAAB, s29;
	s17 =	sshrl.u32 s17, $0x11  }
0x129: {  	s14 =	sadd.s32 s16, s23;
	s18 =	sand.u32 $0xFFFF, s31;
	s20 =	sshrl.u32 s15, $0x15  }
0x12a: {  	s17 =	sand.u32 $0x30, s17;
	s12 =	sshrl.u32 s12, $0x11;
	[sflag:s22] =	ssyncadd.s32 $0xFFFFD000  }
0x12b: {  	s23 =	sshll.u32 s14, $0x7;
	s0 =	sshll.u32 s0, $0x7;
	s4 =	sshll.u32 s4, $0x7  }
0x12c: {  	s17 =	sadd.s32 s17, s13;
	s12 =	sand.u32 $0x30, s12;
	s13 =	smul.u32 $0xAAAB, s18  }
0x12d: {  	s10 =	sshrl.u32 s10, $0x11;
	s18 =	smul.u32 $0x1800, s21;
	s25 =	sand.u32 $0x1C00, s23  }
0x12e: {  	s0 =	sand.u32 $0x1C00, s0;
	s4 =	sand.u32 $0x1C00, s4;
	s10 =	sand.u32 $0x30, s10  }
0x12f: {  	s3 =	sadd.s32 s12, s3;
	s12 =	smul.u32 $0x30, s20;
	s11 =	sadd.s32 s10, s11  }
0x130: {  	s10 =	sand.u32 $0x380, s24;
	s13 =	sshrl.u32 s13, $0x11;
	s26 =	sadd.s32 s25, s18  }
0x131: {  	s3 =	sshll.u32 s3, $0x7;
	s4 =	sadd.s32 s4, s18;
	s0 =	sadd.s32 s0, s18  }
0x132: {  	s12 =	ssub.s32 $0x0, s12;
	s13 =	sand.u32 $0x30, s13;
	s14 =	sor.u32 s10, s26  }
0x133: {  	s11 =	sshll.u32 s11, $0x7;
	s3 =	sand.u32 $0x1C00, s3;
	s15 =	sor.u32 s10, s0;
	v0 =	vld [tilespmem:s14+$0x9C60]  }
0x134: {  	s12 =	sshll.u32 s12, $0x7;
	s28 =	sadd.s32 s13, s31;
	s11 =	sand.u32 $0x1C00, s11  }
0x135: {  	s3 =	sadd.s32 s3, s18;
	s13 =	sor.u32 s10, s4;
	s29 =	sshll.u32 s28, $0x7  }
0x136: {  	s31 =	sshll.u32 s17, $0x7;
	v1 =	vld [tilespmem:s15+$0x9C30];
	s12 =	sand.u32 $0xFF80, s12;
	s4 =	sand.u32 $0x1C00, s29  }
0x137: {  	v2 =	vld [tilespmem:s13+$0x9C20];
	s0 =	sand.u32 $0x1C00, s31;
	s11 =	sadd.s32 s11, s18;
	s4 =	sadd.s32 s4, s18  }
0x138: {  	s12 =	sadd.s32 s12, s18;
	s0 =	sadd.s32 s0, s18;
	s30 =	sor.u32 s10, s4;
	[tilespmem:s14+$0x15C60] =	vst.add.f32.msk $0xffff, v0  }
0x139: {  	s16 =	sor.u32 s10, s3;
	s17 =	sor.u32 s10, s12;
	s14 =	sor.u32 s10, s0;
	v0 =	vld [tilespmem:s30+$0x9C70]  }
.LBB2_9:
0x13a: {  	s9 =	sadd.s32 $0x8, s9;
	v3 =	vld [tilespmem:s16+$0x9C10];
	s0 =	sor.u32 s10, s11  }
0x13b: {  	s12 =	sor.u32 $0x1, s9;
	s3 =	sor.u32 $0x2, s9;
	s4 =	sor.u32 $0x3, s9;
	v4 =	vld [tilespmem:s17+$0x9C00]  }
0x13c: {  	s26 =	sor.u32 $0x4, s9;
	s29 =	sor.u32 $0x5, s9;
	s11 =	sor.u32 $0x6, s9;
	[tilespmem:s13+$0x15C20] =	vst.add.f32.msk $0xffff, v2  }
0x13d: {  	s10 =	smul.u32 $0xAAAB, s9;
	s18 =	sand.u32 $0xFFFF, s11;
	s13 =	sor.u32 $0x7, s9;
	v2 =	vld [tilespmem:s0+$0x9C40]  }
0x13e: {  	s20 =	sand.u32 $0xFFFF, s12;
	s21 =	sand.u32 $0xFFFF, s4;
	s23 =	sand.u32 $0xFFFF, s29;
	v5 =	vld [tilespmem:s14+$0x9C50]  }
0x13f: {  	s25 =	sand.u32 $0xFFFF, s3;
	s24 =	sshrl.u32 s10, $0x18;
	s21 =	smul.u32 $0xAAAB, s21;
	[tilespmem:s15+$0x15C30] =	vst.add.f32.msk $0xffff, v1  }
0x140: {  	s18 =	smul.u32 $0xAAAB, s18;
	s28 =	sand.u32 $0xFFFF, s13;
	s15 =	sshrl.u32 s10, $0x15;
	[tilespmem:s17+$0x15C00] =	vst.add.f32.msk $0xffff, v4  }
0x141: {  	s28 =	smul.u32 $0xAAAB, s28;
	s17 =	sshrl.u32 s21, $0x11;
	s21 =	sand.u32 $0xFFFF, s26;
	[tilespmem:s16+$0x15C10] =	vst.add.f32.msk $0xffff, v3  }
0x142: {  	s10 =	sshrl.u32 s10, $0xE;
	s15 =	smul.u32 $0x30, s15;
	s16 =	sand.u32 $0x30, s17;
	[tilespmem:s30+$0x15C70] =	vst.add.f32.msk $0xffff, v0  }
0x143: {  	p2 =	slt.u32 s9, $0x2F8;
	s17 =	smul.u32 $0xAAAB, s25;
	s4 =	sadd.s32 s16, s4;
	[tilespmem:s14+$0x15C50] =	vst.add.f32.msk $0xffff, v5  }
0x144: {  	s14 =	ssub.s32 s9, s15;
	s4 =	sshll.u32 s4, $0x7;
	s15 =	smul.u32 $0xAAAB, s23;
	[tilespmem:s0+$0x15C40] =	vst.add.f32.msk $0xffff, v2  }
0x145: {  	s10 =	sand.u32 $0x380, s10;
	s0 =	sshll.u32 s14, $0x7;
	s14 =	sshrl.u32 s18, $0x11  }
0x146: {  	s16 =	sshrl.u32 s17, $0x11;
	s17 =	smul.u32 $0xAAAB, s21;
	s15 =	sshrl.u32 s15, $0x11  }
0x147: {  	s18 =	smul.u32 $0xAAAB, s20;
	s16 =	sand.u32 $0x30, s16;
	s0 =	sand.u32 $0xFF80, s0  }
0x148: {  	s4 =	sand.u32 $0x1C00, s4;
	s3 =	sadd.s32 s16, s3;
	s15 =	sand.u32 $0x30, s15  }
0x149: {  	s20 =	smul.u32 $0x1800, s24;
	s14 =	sand.u32 $0x30, s14;
	s3 =	sshll.u32 s3, $0x7  }
0x14a: {  	s11 =	sadd.s32 s14, s11;
	s14 =	sshrl.u32 s28, $0x11;
	s3 =	sand.u32 $0x1C00, s3  }
0x14b: {  	s16 =	sshrl.u32 s17, $0x11;
	s11 =	sshll.u32 s11, $0x7;
	s3 =	sadd.s32 s3, s20  }
0x14c: {  	s17 =	sshrl.u32 s18, $0x11;
	s18 =	sadd.s32 s15, s29;
	s14 =	sand.u32 $0x30, s14  }
0x14d: {  	s16 =	sand.u32 $0x30, s16;
	s15 =	sand.u32 $0x30, s17;
	s11 =	sand.u32 $0x1C00, s11  }
0x14e: {  	s12 =	sadd.s32 s15, s12;
	s15 =	sadd.s32 s16, s26;
	s11 =	sadd.s32 s11, s20  }
0x14f: {  	s12 =	sshll.u32 s12, $0x7;
	s15 =	sshll.u32 s15, $0x7;
	s11 =	sor.u32 s10, s11  }
0x150: {  	s14 =	sadd.s32 s14, s13;
	s12 =	sand.u32 $0x1C00, s12;
	s21 =	sand.u32 $0x1C00, s15;
	v0 =	vld [tilespmem:s11+$0x9C60]  }
0x151: {  	s13 =	sor.u32 s10, s3;
	s3 =	sshll.u32 s14, $0x7;
	s12 =	sadd.s32 s12, s20  }
.Ltmp5:
0x152: {  	s4 =	sadd.s32 s4, s20;
	s3 =	sand.u32 $0x1C00, s3;
	v2 =	vld [tilespmem:s13+$0x9C20];
	(pc) =	sbr.rel @p2 .LBB2_9-.Ltmp5, $4  }
0x153: {  	s15 =	sor.u32 s10, s4;
	s4 =	sshll.u32 s18, $0x7;
	s3 =	sadd.s32 s3, s20  }
0x154: {  	s0 =	sadd.s32 s0, s20;
	s4 =	sand.u32 $0x1C00, s4;
	s30 =	sor.u32 s10, s3;
	v1 =	vld [tilespmem:s15+$0x9C30]  }
0x155: {  	s17 =	sor.u32 s10, s0;
	s16 =	sor.u32 s10, s12;
	s0 =	sadd.s32 s4, s20;
	[tilespmem:s11+$0x15C60] =	vst.add.f32.msk $0xffff, v0  }
0x156: {  	s14 =	sor.u32 s10, s0;
	s11 =	sadd.s32 s21, s20;
	v0 =	vld [tilespmem:s30+$0x9C70]  }
0x157: {  	v3 =	vld [tilespmem:s16+$0x9C10]  }
0x158: {  	v4 =	vld [tilespmem:s17+$0x9C00]  }
0x159: {  	[tilespmem:s13+$0x15C20] =	vst.add.f32.msk $0xffff, v2  }
0x15a: {  	s0 =	sor.u32 s10, s11;
	v5 =	vld [tilespmem:s14+$0x9C50]  }
0x15b: {  	v63 =	vld [tilespmem:s0+$0x9C40]  }
0x15c: {  	[tilespmem:s15+$0x15C30] =	vst.add.f32.msk $0xffff, v1  }
0x15d: {  	s3 =	sadd.s32 s19, s8;
	[tilespmem:s30+$0x15C70] =	vst.add.f32.msk $0xffff, v0  }
.Ltmp6:
0x15e: {  	s3 =	sshrl.u32 s3, $0x3;
	[tilespmem:s17+$0x15C00] =	vst.add.f32.msk $0xffff, v4;
	(pc) =	sbr.rel @p1 .LBB2_12-.Ltmp6, $4  }
0x15f: {  	s3 =	smul.u32 $0x300, s3;
	[tilespmem:s16+$0x15C10] =	vst.add.f32.msk $0xffff, v3  }
0x160: {  	[tilespmem:s14+$0x15C50] =	vst.add.f32.msk $0xffff, v5  }
0x161: {  	s31 =	simm.s32 $0x15C00;
	s30 =	sadd.s32 s7, s3;
	[tilespmem:s0+$0x15C40] =	vst.add.f32.msk $0xffff, v63  }
0x162: {  	[hbm4b:s30+s5] =	stream.linear.scatter [tilespmem:s31], [sflag:$0xA], $0x3000, $0x38;
	[tilespmem:$0x18C00] =	vst v63  }
0x163: {  	s0 =	sadd.s32 $0x5, s1  }
0x164: {  	s1 =	smulhi.u32 $0x38E38E39, s0;
	_ =	sdelay $0x1  }
0x165: {  	s4 =	simm.s32 $0x8;
	s3 =	sshll.u32 s0, $0x4;
	s1 =	sshrl.u32 s1, $0x3  }
0x166: {  	_ =	swait.ge [sflag:s4], $0x3000;
	s3 =	sadd.s32 s6, s3;
	s1 =	smul.u32 $0x24, s1  }
0x167: {  	[sflag:s4] =	ssyncset.done $0x0;
	s3 =	sshrl.u32 s3, $0x3  }
0x168: {  	[sflag:s4] =	ssyncadd.s32 $0xFFFFD000;
	s3 =	smul.u32 $0x300, s3;
	s0 =	ssub.s32 s0, s1  }
0x169: {  	s28 =	rddreg [dreg:$0x0];
	s0 =	smul.u32 $0xC000, s0  }
.Ltmp7:
0x16a: {  	s29 =	simm.s32 $0xFC00;
	s1 =	sadd.s32 s28, s3;
	(pc) =	sbr.rel .LBB2_2-.Ltmp7, $4  }
0x16b: {  	[tilespmem:s29], [sflag:$0x4] =	stream.linear.gather [hbm4b:s1+s5], $0x3000, $0x38;
	[tilespmem:$0x18C00] =	vst v63  }
0x16c: {  	s30 =	rddreg [dreg:$0x3];
	s0 =	sshrl.u32 s0, $0x2  }
0x16d: {  	s31 =	simm.s32 $0x9C00;
	s2 =	sadd.s32 $0x1, s2;
	s0 =	sadd.s32 s0, s30  }
0x16e: {  	[tilespmem:s31], [sflag:$0x2] =	stream.linear.gather [spmem:s0], $0x3000, $0x38;
	[tilespmem:$0x18C00] =	vst v63  }
.LBB2_13:
0x16f: {  	_ =	sfence.sel $0x180000  }
0x170: {  	[bflag:$0x0] =	sbarrier.arrive $0xFFFF  }
0x171: {  	_ =	strace $0x90000047  }
0x172: {  	[bflag:$0x2] =	sbarrier.arrive $0xFFFF  }
0x173: {  	s0 =	rddreg [dreg:$0x4]  }
0x174: {  	s0 =	sadd.s32 @!p0 $0x100000, s0  }
0x175: {  	[sflag:s0] =	ssyncadd.tile.s32 @!p0 $0x1;
	_ =	shalt  }
.Lfunc_end2:
_tile_overlayer_lowered:
.L_overlay_start_2:
0x176: {  	(tag) =	ssettag $0x2  }
0x177: {  	s0 =	rddreg [dreg:$0x0];
	s2 =	stileid.u32  }
0x178: {  	s1 =	rddreg [dreg:$0x1];
	p0 =	sne.s32 s2, $0x0  }
0x179: {  	s3 =	rddreg [dreg:$0x2];
	[bflag:$0x3] =	sbarrier.arrive $0xFFFF;
	s2 =	simm.s32 @!p0 $0x1C0B  }
0x17a: {  	[timem:s3], [sflag:s2] =	dma.local @!p0 [hbm:s0], s1  }
0x17b: {  	s0 =	simm.s32 @!p0 $0xB  }
0x17c: {  	_ =	swait.ge @!p0 [sflag:s0], s1  }
0x17d: {  	s1 =	ssub.s32 @!p0 $0x0, s1;
	[sflag:s0] =	ssyncset.done @!p0 $0x0  }
0x17e: {  	[sflag:s0] =	ssyncadd.s32 @!p0 s1  }
0x17f: {  	[bflag:$0x3] =	sbarrier.arrive $0xFFFF  }
0x180: {  	_ =	shalt  }

</sc_bundles>
